<compile_context>
chip_gen: v7x
topology: tpu7x:2x2x1
jax: 0.10.2.dev20260603
libtpu: 0.0.44.dev20260713+nightly
codegen_flags: <defaults>
</compile_context>

<pallas_src>
import functools

import jax
import jax.numpy as jnp
from jax import lax
from jax.experimental import pallas as pl
from jax.experimental.pallas import tpu as pltpu
from jax.experimental.pallas import tpu_sc as plsc

_N = 200
_D = 64
_L = 16
_TILES = 16
_PER = 16
_LAST = _N - _PER
_FULL = _N // _PER
_ACTIVE = _FULL + 1


def _sc_body(idx_hbm, table_hbm, out_hbm,
             idx_v, rows_v, part_v, shared, comb_v, out_v, sem):
    s = lax.axis_index("s")
    base = jnp.minimum(s * _PER, _LAST)

    @pl.when(s < _ACTIVE)
    def _gather_and_sum():
        pltpu.sync_copy(idx_hbm.at[pl.ds(base, _PER)], idx_v)
        pltpu.async_copy(table_hbm.at[idx_v], rows_v, sem).wait()

        @pl.when(s < _FULL)
        def _full_chunk():
            for j in range(_D // _L):
                acc = rows_v[0, pl.ds(j * _L, _L)]
                for i in range(1, _PER):
                    acc = acc + rows_v[i, pl.ds(j * _L, _L)]
                part_v[pl.ds(j * _L, _L)] = acc

        @pl.when(s == _FULL)
        def _tail_chunk():
            for j in range(_D // _L):
                acc = rows_v[_PER // 2, pl.ds(j * _L, _L)]
                for i in range(_PER // 2 + 1, _PER):
                    acc = acc + rows_v[i, pl.ds(j * _L, _L)]
                part_v[pl.ds(j * _L, _L)] = acc

        @pl.when(s > 0)
        def _publish():
            pltpu.sync_copy(part_v, shared.at[s - 1])

    plsc.subcore_barrier()

    @pl.when(s == 0)
    def _finish():
        pltpu.sync_copy(shared, comb_v)
        for j in range(_D // _L):
            tot = part_v[pl.ds(j * _L, _L)]
            for i in range(_ACTIVE - 1):
                tot = tot + comb_v[i, pl.ds(j * _L, _L)]
            out_v[pl.ds(j * _L, _L)] = jnp.maximum(
                tot * jnp.float32(1.0 / _N), 0.0)
        pltpu.sync_copy(out_v, out_hbm)


@functools.cache
def _build_call():
    return pl.kernel(
        _sc_body,
        mesh=plsc.VectorSubcoreMesh(
            core_axis_name="c", subcore_axis_name="s", num_cores=1),
        out_type=jax.ShapeDtypeStruct((_D,), jnp.float32),
        scratch_types=[
            pltpu.VMEM((_PER,), jnp.int32),
            pltpu.VMEM((_PER, _D), jnp.float32),
            pltpu.VMEM((_D,), jnp.float32),
            pltpu.VMEM_SHARED((_ACTIVE - 1, _D), jnp.float32),
            pltpu.VMEM((_ACTIVE - 1, _D), jnp.float32),
            pltpu.VMEM((_D,), jnp.float32),
            pltpu.SemaphoreType.DMA,
        ],
        compiler_params=pltpu.CompilerParams(
            use_tc_tiling_on_sc=False,
            disable_bounds_checks=True,
            disable_semaphore_checks=True,
            skip_device_barrier=True,
        ),
    )


def kernel(artists, embedding):
    return _build_call()(artists, embedding)

# --- scband reference (transcript-rebuilt; emitter-appended) ---
"""Pipeline reference for scband-artist-encoder-84550726189836 (READ-ONLY COPY).

The authoritative reference and input builder live on the scoring server;
editing this copy changes nothing except your own understanding.
"""

import jax, jax.numpy as jnp
import numpy as np

VOCAB = 1000
EMBED_DIM = 64
NUM_ARTISTS = 200

def setup_inputs(seed: int = 0):
    key = jax.random.key(seed)
    k1, k2 = jax.random.split(key)
    # label-encoded artist ids (stand-in for artist2id.get(a, 0) string lookup)
    artists = jax.random.randint(k1, (NUM_ARTISTS,), 0, VOCAB, dtype=jnp.int32)
    # nn.Embedding weight table
    embedding = jax.random.normal(k2, (VOCAB, EMBED_DIM), dtype=jnp.float32)
    return {"artists": artists, "embedding": embedding}

def reference(artists, embedding):
    # emb = self.embedding(idx_tensor)
    emb = jnp.take(embedding, artists, axis=0)
    # emb_mean = emb.mean(dim=0)
    emb_mean = jnp.mean(emb, axis=0)
    # emb_out = F.relu(emb_mean)
    return jax.nn.relu(emb_mean)

if __name__ == "__main__":
    import jax
    _d = setup_inputs()
    print(jax.jit(kernel)(*tuple(_d.values())))

</pallas_src>

<mosaic_0001>
#map = affine_map<(d0, d1) -> (0)>
#map1 = affine_map<(d0, d1) -> (0, 0)>
module attributes {stable_mosaic.version = 14 : i64} {
  func.func @_sc_body(%arg0: i32, %arg1: i32, %arg2: memref<200xi32, #tpu.memory_space<hbm>>, %arg3: memref<1000x64xf32, #tpu.memory_space<hbm>>, %arg4: memref<64xf32, #tpu.memory_space<hbm>>, %arg5: memref<16xi32, #tpu.memory_space<vmem>>, %arg6: memref<16x64xf32, #tpu.memory_space<vmem>>, %arg7: memref<64xf32, #tpu.memory_space<vmem>>, %arg8: memref<12x64xf32, #tpu.memory_space<vmem_shared>>, %arg9: memref<12x64xf32, #tpu.memory_space<vmem>>, %arg10: memref<64xf32, #tpu.memory_space<vmem>>, %arg11: memref<!tpu.dma_semaphore, #tpu.memory_space<semaphore_mem>>) attributes {dimension_semantics = [#tpu.dimension_semantics<core_parallel>, #tpu.dimension_semantics<subcore_parallel>], iteration_bounds = array<i64: 1, 16>, scalar_prefetch = 0 : i64, scratch_operands = 7 : i64, tpu.core_type = #tpu.core_type<sc_vector_subcore>, window_params = [{transform_indices = #map}, {transform_indices = #map1}, {transform_indices = #map}]} {
    %mul3A = arith.constant 16 : i32
    %mul3A_0 = arith.muli %arg1, %mul3A : i32
    %min3A = arith.constant 184 : i32
    %min3A_1 = arith.minsi %mul3A_0, %min3A : i32
    %lt3A = arith.constant 13 : i32
    %lt3A_2 = arith.cmpi slt, %arg1, %lt3A : i32
    %convert_element_type3A = arith.extui %lt3A_2 : i1 to i32
    %cond3A = arith.constant 0 : i32
    %cond3A_3 = arith.cmpi ne, %convert_element_type3A, %cond3A : i32
    scf.if %cond3A_3 {
      "tpu.region"() ({
        %run_scoped3A = tpu.sem_alloc : memref<!tpu.dma_semaphore, #tpu.memory_space<semaphore_mem>>
        %dma_start3A_26 = tpu.memref_slice %arg2[%min3A_1] : memref<200xi32, #tpu.memory_space<hbm>> -> memref<16xi32, #tpu.memory_space<hbm>>
        %dma_start3A_27 = tpu.memref_slice %arg2[%min3A_1] : memref<200xi32, #tpu.memory_space<hbm>> -> memref<16xi32, #tpu.memory_space<hbm>>
        tpu.enqueue_dma source(%dma_start3A_27 : memref<16xi32, #tpu.memory_space<hbm>>) target(%arg5 : memref<16xi32, #tpu.memory_space<vmem>>) target_semaphore(%run_scoped3A : memref<!tpu.dma_semaphore, #tpu.memory_space<semaphore_mem>>)
        %dma_wait3A_28 = tpu.memref_slice %arg2[%min3A_1] : memref<200xi32, #tpu.memory_space<hbm>> -> memref<16xi32, #tpu.memory_space<hbm>>
        %dma_wait3A_29 = tpu.memref_slice %arg2[%min3A_1] : memref<200xi32, #tpu.memory_space<hbm>> -> memref<16xi32, #tpu.memory_space<hbm>>
        tpu.wait_dma2 semaphore(%run_scoped3A : memref<!tpu.dma_semaphore, #tpu.memory_space<semaphore_mem>>) src(%dma_wait3A_29 : memref<16xi32, #tpu.memory_space<hbm>>) dst(%arg5 : memref<16xi32, #tpu.memory_space<vmem>>)
        tpu.yield
      }) : () -> ()
      %dma_start3A = arith.constant 0 : i32
      %dma_start3A_8 = arith.constant 0 : i32
      %dma_start3A_9 = tpu.memref_slice %arg3[%dma_start3A, %dma_start3A_8] : memref<1000x64xf32, #tpu.memory_space<hbm>> -> memref<1000x64xf32, #tpu.memory_space<hbm>>
      tpu.enqueue_indirect_dma source(%dma_start3A_9 : memref<1000x64xf32, #tpu.memory_space<hbm>>) target(%arg6 : memref<16x64xf32, #tpu.memory_space<vmem>>) offsets(%arg5 : memref<16xi32, #tpu.memory_space<vmem>>) semaphore(%arg11 : memref<!tpu.dma_semaphore, #tpu.memory_space<semaphore_mem>>)
      %dma_wait3A = arith.constant 0 : i32
      %dma_wait3A_10 = arith.constant 0 : i32
      %dma_wait3A_11 = tpu.memref_slice %arg3[%dma_wait3A, %dma_wait3A_10] : memref<1000x64xf32, #tpu.memory_space<hbm>> -> memref<1000x64xf32, #tpu.memory_space<hbm>>
      tpu.wait_indirect_dma semaphore(%arg11 : memref<!tpu.dma_semaphore, #tpu.memory_space<semaphore_mem>>) src(%dma_wait3A_11 : memref<1000x64xf32, #tpu.memory_space<hbm>>) dst(%arg6 : memref<16x64xf32, #tpu.memory_space<vmem>>)
      %lt3A_12 = arith.constant 12 : i32
      %lt3A_13 = arith.cmpi slt, %arg1, %lt3A_12 : i32
      %convert_element_type3A_14 = arith.extui %lt3A_13 : i1 to i32
      %cond3A_15 = arith.constant 0 : i32
      %cond3A_16 = arith.cmpi ne, %convert_element_type3A_14, %cond3A_15 : i32
      scf.if %cond3A_16 {
        %get3A = arith.constant 0 : i32
        %get3A_26 = arith.index_cast %get3A : i32 to index
        %get3A_27 = arith.constant 0 : index
        %get3A_28 = tpu.vector_load %arg6[%get3A_26, %get3A_27] {strides = array<i32>} : memref<16x64xf32, #tpu.memory_space<vmem>>, vector<1x16xf32>,
        %get3A_29 = vector.shape_cast %get3A_28 : vector<1x16xf32> to vector<16xf32>
        %get3A_30 = arith.constant 1 : i32
        %get3A_31 = arith.index_cast %get3A_30 : i32 to index
        %get3A_32 = arith.constant 0 : index
        %get3A_33 = tpu.vector_load %arg6[%get3A_31, %get3A_32] {strides = array<i32>} : memref<16x64xf32, #tpu.memory_space<vmem>>, vector<1x16xf32>,
        %get3A_34 = vector.shape_cast %get3A_33 : vector<1x16xf32> to vector<16xf32>
        %add3A = arith.addf %get3A_29, %get3A_34 : vector<16xf32>
        %get3A_35 = arith.constant 2 : i32
        %get3A_36 = arith.index_cast %get3A_35 : i32 to index
        %get3A_37 = arith.constant 0 : index
        %get3A_38 = tpu.vector_load %arg6[%get3A_36, %get3A_37] {strides = array<i32>} : memref<16x64xf32, #tpu.memory_space<vmem>>, vector<1x16xf32>,
        %get3A_39 = vector.shape_cast %get3A_38 : vector<1x16xf32> to vector<16xf32>
        %add3A_40 = arith.addf %add3A, %get3A_39 : vector<16xf32>
        %get3A_41 = arith.constant 3 : i32
        %get3A_42 = arith.index_cast %get3A_41 : i32 to index
        %get3A_43 = arith.constant 0 : index
        %get3A_44 = tpu.vector_load %arg6[%get3A_42, %get3A_43] {strides = array<i32>} : memref<16x64xf32, #tpu.memory_space<vmem>>, vector<1x16xf32>,
        %get3A_45 = vector.shape_cast %get3A_44 : vector<1x16xf32> to vector<16xf32>
        %add3A_46 = arith.addf %add3A_40, %get3A_45 : vector<16xf32>
        %get3A_47 = arith.constant 4 : i32
        %get3A_48 = arith.index_cast %get3A_47 : i32 to index
        %get3A_49 = arith.constant 0 : index
        %get3A_50 = tpu.vector_load %arg6[%get3A_48, %get3A_49] {strides = array<i32>} : memref<16x64xf32, #tpu.memory_space<vmem>>, vector<1x16xf32>,
        %get3A_51 = vector.shape_cast %get3A_50 : vector<1x16xf32> to vector<16xf32>
        %add3A_52 = arith.addf %add3A_46, %get3A_51 : vector<16xf32>
        %get3A_53 = arith.constant 5 : i32
        %get3A_54 = arith.index_cast %get3A_53 : i32 to index
        %get3A_55 = arith.constant 0 : index
        %get3A_56 = tpu.vector_load %arg6[%get3A_54, %get3A_55] {strides = array<i32>} : memref<16x64xf32, #tpu.memory_space<vmem>>, vector<1x16xf32>,
        %get3A_57 = vector.shape_cast %get3A_56 : vector<1x16xf32> to vector<16xf32>
        %add3A_58 = arith.addf %add3A_52, %get3A_57 : vector<16xf32>
        %get3A_59 = arith.constant 6 : i32
        %get3A_60 = arith.index_cast %get3A_59 : i32 to index
        %get3A_61 = arith.constant 0 : index
        %get3A_62 = tpu.vector_load %arg6[%get3A_60, %get3A_61] {strides = array<i32>} : memref<16x64xf32, #tpu.memory_space<vmem>>, vector<1x16xf32>,
        %get3A_63 = vector.shape_cast %get3A_62 : vector<1x16xf32> to vector<16xf32>
        %add3A_64 = arith.addf %add3A_58, %get3A_63 : vector<16xf32>
        %get3A_65 = arith.constant 7 : i32
        %get3A_66 = arith.index_cast %get3A_65 : i32 to index
        %get3A_67 = arith.constant 0 : index
        %get3A_68 = tpu.vector_load %arg6[%get3A_66, %get3A_67] {strides = array<i32>} : memref<16x64xf32, #tpu.memory_space<vmem>>, vector<1x16xf32>,
        %get3A_69 = vector.shape_cast %get3A_68 : vector<1x16xf32> to vector<16xf32>
        %add3A_70 = arith.addf %add3A_64, %get3A_69 : vector<16xf32>
        %get3A_71 = arith.constant 8 : i32
        %get3A_72 = arith.index_cast %get3A_71 : i32 to index
        %get3A_73 = arith.constant 0 : index
        %get3A_74 = tpu.vector_load %arg6[%get3A_72, %get3A_73] {strides = array<i32>} : memref<16x64xf32, #tpu.memory_space<vmem>>, vector<1x16xf32>,
        %get3A_75 = vector.shape_cast %get3A_74 : vector<1x16xf32> to vector<16xf32>
        %add3A_76 = arith.addf %add3A_70, %get3A_75 : vector<16xf32>
        %get3A_77 = arith.constant 9 : i32
        %get3A_78 = arith.index_cast %get3A_77 : i32 to index
        %get3A_79 = arith.constant 0 : index
        %get3A_80 = tpu.vector_load %arg6[%get3A_78, %get3A_79] {strides = array<i32>} : memref<16x64xf32, #tpu.memory_space<vmem>>, vector<1x16xf32>,
        %get3A_81 = vector.shape_cast %get3A_80 : vector<1x16xf32> to vector<16xf32>
        %add3A_82 = arith.addf %add3A_76, %get3A_81 : vector<16xf32>
        %get3A_83 = arith.constant 10 : i32
        %get3A_84 = arith.index_cast %get3A_83 : i32 to index
        %get3A_85 = arith.constant 0 : index
        %get3A_86 = tpu.vector_load %arg6[%get3A_84, %get3A_85] {strides = array<i32>} : memref<16x64xf32, #tpu.memory_space<vmem>>, vector<1x16xf32>,
        %get3A_87 = vector.shape_cast %get3A_86 : vector<1x16xf32> to vector<16xf32>
        %add3A_88 = arith.addf %add3A_82, %get3A_87 : vector<16xf32>
        %get3A_89 = arith.constant 11 : i32
        %get3A_90 = arith.index_cast %get3A_89 : i32 to index
        %get3A_91 = arith.constant 0 : index
        %get3A_92 = tpu.vector_load %arg6[%get3A_90, %get3A_91] {strides = array<i32>} : memref<16x64xf32, #tpu.memory_space<vmem>>, vector<1x16xf32>,
        %get3A_93 = vector.shape_cast %get3A_92 : vector<1x16xf32> to vector<16xf32>
        %add3A_94 = arith.addf %add3A_88, %get3A_93 : vector<16xf32>
        %get3A_95 = arith.constant 12 : i32
        %get3A_96 = arith.index_cast %get3A_95 : i32 to index
        %get3A_97 = arith.constant 0 : index
        %get3A_98 = tpu.vector_load %arg6[%get3A_96, %get3A_97] {strides = array<i32>} : memref<16x64xf32, #tpu.memory_space<vmem>>, vector<1x16xf32>,
        %get3A_99 = vector.shape_cast %get3A_98 : vector<1x16xf32> to vector<16xf32>
        %add3A_100 = arith.addf %add3A_94, %get3A_99 : vector<16xf32>
        %get3A_101 = arith.constant 13 : i32
        %get3A_102 = arith.index_cast %get3A_101 : i32 to index
        %get3A_103 = arith.constant 0 : index
        %get3A_104 = tpu.vector_load %arg6[%get3A_102, %get3A_103] {strides = array<i32>} : memref<16x64xf32, #tpu.memory_space<vmem>>, vector<1x16xf32>,
        %get3A_105 = vector.shape_cast %get3A_104 : vector<1x16xf32> to vector<16xf32>
        %add3A_106 = arith.addf %add3A_100, %get3A_105 : vector<16xf32>
        %get3A_107 = arith.constant 14 : i32
        %get3A_108 = arith.index_cast %get3A_107 : i32 to index
        %get3A_109 = arith.constant 0 : index
        %get3A_110 = tpu.vector_load %arg6[%get3A_108, %get3A_109] {strides = array<i32>} : memref<16x64xf32, #tpu.memory_space<vmem>>, vector<1x16xf32>,
        %get3A_111 = vector.shape_cast %get3A_110 : vector<1x16xf32> to vector<16xf32>
        %add3A_112 = arith.addf %add3A_106, %get3A_111 : vector<16xf32>
        %get3A_113 = arith.constant 15 : i32
        %get3A_114 = arith.index_cast %get3A_113 : i32 to index
        %get3A_115 = arith.constant 0 : index
        %get3A_116 = tpu.vector_load %arg6[%get3A_114, %get3A_115] {strides = array<i32>} : memref<16x64xf32, #tpu.memory_space<vmem>>, vector<1x16xf32>,
        %get3A_117 = vector.shape_cast %get3A_116 : vector<1x16xf32> to vector<16xf32>
        %add3A_118 = arith.addf %add3A_112, %get3A_117 : vector<16xf32>
        %swap3A = arith.constant 0 : index
        %swap3A_119 = tpu.vector_load %arg7[%swap3A] {strides = array<i32>} : memref<64xf32, #tpu.memory_space<vmem>>, vector<16xf32>,
        %swap3A_120 = vector.shape_cast %swap3A_119 : vector<16xf32> to vector<16xf32>
        %swap3A_121 = vector.shape_cast %add3A_118 : vector<16xf32> to vector<16xf32>
        tpu.vector_store %arg7[%swap3A], %swap3A_121 {strides = array<i32>} : memref<64xf32, #tpu.memory_space<vmem>>, vector<16xf32>,
        %get3A_122 = arith.constant 0 : i32
        %get3A_123 = arith.index_cast %get3A_122 : i32 to index
        %get3A_124 = arith.constant 16 : index
        %get3A_125 = tpu.vector_load %arg6[%get3A_123, %get3A_124] {strides = array<i32>} : memref<16x64xf32, #tpu.memory_space<vmem>>, vector<1x16xf32>,
        %get3A_126 = vector.shape_cast %get3A_125 : vector<1x16xf32> to vector<16xf32>
        %get3A_127 = arith.constant 1 : i32
        %get3A_128 = arith.index_cast %get3A_127 : i32 to index
        %get3A_129 = arith.constant 16 : index
        %get3A_130 = tpu.vector_load %arg6[%get3A_128, %get3A_129] {strides = array<i32>} : memref<16x64xf32, #tpu.memory_space<vmem>>, vector<1x16xf32>,
        %get3A_131 = vector.shape_cast %get3A_130 : vector<1x16xf32> to vector<16xf32>
        %add3A_132 = arith.addf %get3A_126, %get3A_131 : vector<16xf32>
        %get3A_133 = arith.constant 2 : i32
        %get3A_134 = arith.index_cast %get3A_133 : i32 to index
        %get3A_135 = arith.constant 16 : index
        %get3A_136 = tpu.vector_load %arg6[%get3A_134, %get3A_135] {strides = array<i32>} : memref<16x64xf32, #tpu.memory_space<vmem>>, vector<1x16xf32>,
        %get3A_137 = vector.shape_cast %get3A_136 : vector<1x16xf32> to vector<16xf32>
        %add3A_138 = arith.addf %add3A_132, %get3A_137 : vector<16xf32>
        %get3A_139 = arith.constant 3 : i32
        %get3A_140 = arith.index_cast %get3A_139 : i32 to index
        %get3A_141 = arith.constant 16 : index
        %get3A_142 = tpu.vector_load %arg6[%get3A_140, %get3A_141] {strides = array<i32>} : memref<16x64xf32, #tpu.memory_space<vmem>>, vector<1x16xf32>,
        %get3A_143 = vector.shape_cast %get3A_142 : vector<1x16xf32> to vector<16xf32>
        %add3A_144 = arith.addf %add3A_138, %get3A_143 : vector<16xf32>
        %get3A_145 = arith.constant 4 : i32
        %get3A_146 = arith.index_cast %get3A_145 : i32 to index
        %get3A_147 = arith.constant 16 : index
        %get3A_148 = tpu.vector_load %arg6[%get3A_146, %get3A_147] {strides = array<i32>} : memref<16x64xf32, #tpu.memory_space<vmem>>, vector<1x16xf32>,
        %get3A_149 = vector.shape_cast %get3A_148 : vector<1x16xf32> to vector<16xf32>
        %add3A_150 = arith.addf %add3A_144, %get3A_149 : vector<16xf32>
        %get3A_151 = arith.constant 5 : i32
        %get3A_152 = arith.index_cast %get3A_151 : i32 to index
        %get3A_153 = arith.constant 16 : index
        %get3A_154 = tpu.vector_load %arg6[%get3A_152, %get3A_153] {strides = array<i32>} : memref<16x64xf32, #tpu.memory_space<vmem>>, vector<1x16xf32>,
        %get3A_155 = vector.shape_cast %get3A_154 : vector<1x16xf32> to vector<16xf32>
        %add3A_156 = arith.addf %add3A_150, %get3A_155 : vector<16xf32>
        %get3A_157 = arith.constant 6 : i32
        %get3A_158 = arith.index_cast %get3A_157 : i32 to index
        %get3A_159 = arith.constant 16 : index
        %get3A_160 = tpu.vector_load %arg6[%get3A_158, %get3A_159] {strides = array<i32>} : memref<16x64xf32, #tpu.memory_space<vmem>>, vector<1x16xf32>,
        %get3A_161 = vector.shape_cast %get3A_160 : vector<1x16xf32> to vector<16xf32>
        %add3A_162 = arith.addf %add3A_156, %get3A_161 : vector<16xf32>
        %get3A_163 = arith.constant 7 : i32
        %get3A_164 = arith.index_cast %get3A_163 : i32 to index
        %get3A_165 = arith.constant 16 : index
        %get3A_166 = tpu.vector_load %arg6[%get3A_164, %get3A_165] {strides = array<i32>} : memref<16x64xf32, #tpu.memory_space<vmem>>, vector<1x16xf32>,
        %get3A_167 = vector.shape_cast %get3A_166 : vector<1x16xf32> to vector<16xf32>
        %add3A_168 = arith.addf %add3A_162, %get3A_167 : vector<16xf32>
        %get3A_169 = arith.constant 8 : i32
        %get3A_170 = arith.index_cast %get3A_169 : i32 to index
        %get3A_171 = arith.constant 16 : index
        %get3A_172 = tpu.vector_load %arg6[%get3A_170, %get3A_171] {strides = array<i32>} : memref<16x64xf32, #tpu.memory_space<vmem>>, vector<1x16xf32>,
        %get3A_173 = vector.shape_cast %get3A_172 : vector<1x16xf32> to vector<16xf32>
        %add3A_174 = arith.addf %add3A_168, %get3A_173 : vector<16xf32>
        %get3A_175 = arith.constant 9 : i32
        %get3A_176 = arith.index_cast %get3A_175 : i32 to index
        %get3A_177 = arith.constant 16 : index
        %get3A_178 = tpu.vector_load %arg6[%get3A_176, %get3A_177] {strides = array<i32>} : memref<16x64xf32, #tpu.memory_space<vmem>>, vector<1x16xf32>,
        %get3A_179 = vector.shape_cast %get3A_178 : vector<1x16xf32> to vector<16xf32>
        %add3A_180 = arith.addf %add3A_174, %get3A_179 : vector<16xf32>
        %get3A_181 = arith.constant 10 : i32
        %get3A_182 = arith.index_cast %get3A_181 : i32 to index
        %get3A_183 = arith.constant 16 : index
        %get3A_184 = tpu.vector_load %arg6[%get3A_182, %get3A_183] {strides = array<i32>} : memref<16x64xf32, #tpu.memory_space<vmem>>, vector<1x16xf32>,
        %get3A_185 = vector.shape_cast %get3A_184 : vector<1x16xf32> to vector<16xf32>
        %add3A_186 = arith.addf %add3A_180, %get3A_185 : vector<16xf32>
        %get3A_187 = arith.constant 11 : i32
        %get3A_188 = arith.index_cast %get3A_187 : i32 to index
        %get3A_189 = arith.constant 16 : index
        %get3A_190 = tpu.vector_load %arg6[%get3A_188, %get3A_189] {strides = array<i32>} : memref<16x64xf32, #tpu.memory_space<vmem>>, vector<1x16xf32>,
        %get3A_191 = vector.shape_cast %get3A_190 : vector<1x16xf32> to vector<16xf32>
        %add3A_192 = arith.addf %add3A_186, %get3A_191 : vector<16xf32>
        %get3A_193 = arith.constant 12 : i32
        %get3A_194 = arith.index_cast %get3A_193 : i32 to index
        %get3A_195 = arith.constant 16 : index
        %get3A_196 = tpu.vector_load %arg6[%get3A_194, %get3A_195] {strides = array<i32>} : memref<16x64xf32, #tpu.memory_space<vmem>>, vector<1x16xf32>,
        %get3A_197 = vector.shape_cast %get3A_196 : vector<1x16xf32> to vector<16xf32>
        %add3A_198 = arith.addf %add3A_192, %get3A_197 : vector<16xf32>
        %get3A_199 = arith.constant 13 : i32
        %get3A_200 = arith.index_cast %get3A_199 : i32 to index
        %get3A_201 = arith.constant 16 : index
        %get3A_202 = tpu.vector_load %arg6[%get3A_200, %get3A_201] {strides = array<i32>} : memref<16x64xf32, #tpu.memory_space<vmem>>, vector<1x16xf32>,
        %get3A_203 = vector.shape_cast %get3A_202 : vector<1x16xf32> to vector<16xf32>
        %add3A_204 = arith.addf %add3A_198, %get3A_203 : vector<16xf32>
        %get3A_205 = arith.constant 14 : i32
        %get3A_206 = arith.index_cast %get3A_205 : i32 to index
        %get3A_207 = arith.constant 16 : index
        %get3A_208 = tpu.vector_load %arg6[%get3A_206, %get3A_207] {strides = array<i32>} : memref<16x64xf32, #tpu.memory_space<vmem>>, vector<1x16xf32>,
        %get3A_209 = vector.shape_cast %get3A_208 : vector<1x16xf32> to vector<16xf32>
        %add3A_210 = arith.addf %add3A_204, %get3A_209 : vector<16xf32>
        %get3A_211 = arith.constant 15 : i32
        %get3A_212 = arith.index_cast %get3A_211 : i32 to index
        %get3A_213 = arith.constant 16 : index
        %get3A_214 = tpu.vector_load %arg6[%get3A_212, %get3A_213] {strides = array<i32>} : memref<16x64xf32, #tpu.memory_space<vmem>>, vector<1x16xf32>,
        %get3A_215 = vector.shape_cast %get3A_214 : vector<1x16xf32> to vector<16xf32>
        %add3A_216 = arith.addf %add3A_210, %get3A_215 : vector<16xf32>
        %swap3A_217 = arith.constant 16 : index
        %swap3A_218 = tpu.vector_load %arg7[%swap3A_217] {strides = array<i32>} : memref<64xf32, #tpu.memory_space<vmem>>, vector<16xf32>,
        %swap3A_219 = vector.shape_cast %swap3A_218 : vector<16xf32> to vector<16xf32>
        %swap3A_220 = vector.shape_cast %add3A_216 : vector<16xf32> to vector<16xf32>
        tpu.vector_store %arg7[%swap3A_217], %swap3A_220 {strides = array<i32>} : memref<64xf32, #tpu.memory_space<vmem>>, vector<16xf32>,
        %get3A_221 = arith.constant 0 : i32
        %get3A_222 = arith.index_cast %get3A_221 : i32 to index
        %get3A_223 = arith.constant 32 : index
        %get3A_224 = tpu.vector_load %arg6[%get3A_222, %get3A_223] {strides = array<i32>} : memref<16x64xf32, #tpu.memory_space<vmem>>, vector<1x16xf32>,
        %get3A_225 = vector.shape_cast %get3A_224 : vector<1x16xf32> to vector<16xf32>
        %get3A_226 = arith.constant 1 : i32
        %get3A_227 = arith.index_cast %get3A_226 : i32 to index
        %get3A_228 = arith.constant 32 : index
        %get3A_229 = tpu.vector_load %arg6[%get3A_227, %get3A_228] {strides = array<i32>} : memref<16x64xf32, #tpu.memory_space<vmem>>, vector<1x16xf32>,
        %get3A_230 = vector.shape_cast %get3A_229 : vector<1x16xf32> to vector<16xf32>
        %add3A_231 = arith.addf %get3A_225, %get3A_230 : vector<16xf32>
        %get3A_232 = arith.constant 2 : i32
        %get3A_233 = arith.index_cast %get3A_232 : i32 to index
        %get3A_234 = arith.constant 32 : index
        %get3A_235 = tpu.vector_load %arg6[%get3A_233, %get3A_234] {strides = array<i32>} : memref<16x64xf32, #tpu.memory_space<vmem>>, vector<1x16xf32>,
        %get3A_236 = vector.shape_cast %get3A_235 : vector<1x16xf32> to vector<16xf32>
        %add3A_237 = arith.addf %add3A_231, %get3A_236 : vector<16xf32>
        %get3A_238 = arith.constant 3 : i32
        %get3A_239 = arith.index_cast %get3A_238 : i32 to index
        %get3A_240 = arith.constant 32 : index
        %get3A_241 = tpu.vector_load %arg6[%get3A_239, %get3A_240] {strides = array<i32>} : memref<16x64xf32, #tpu.memory_space<vmem>>, vector<1x16xf32>,
        %get3A_242 = vector.shape_cast %get3A_241 : vector<1x16xf32> to vector<16xf32>
        %add3A_243 = arith.addf %add3A_237, %get3A_242 : vector<16xf32>
        %get3A_244 = arith.constant 4 : i32
        %get3A_245 = arith.index_cast %get3A_244 : i32 to index
        %get3A_246 = arith.constant 32 : index
        %get3A_247 = tpu.vector_load %arg6[%get3A_245, %get3A_246] {strides = array<i32>} : memref<16x64xf32, #tpu.memory_space<vmem>>, vector<1x16xf32>,
        %get3A_248 = vector.shape_cast %get3A_247 : vector<1x16xf32> to vector<16xf32>
        %add3A_249 = arith.addf %add3A_243, %get3A_248 : vector<16xf32>
        %get3A_250 = arith.constant 5 : i32
        %get3A_251 = arith.index_cast %get3A_250 : i32 to index
        %get3A_252 = arith.constant 32 : index
        %get3A_253 = tpu.vector_load %arg6[%get3A_251, %get3A_252] {strides = array<i32>} : memref<16x64xf32, #tpu.memory_space<vmem>>, vector<1x16xf32>,
        %get3A_254 = vector.shape_cast %get3A_253 : vector<1x16xf32> to vector<16xf32>
        %add3A_255 = arith.addf %add3A_249, %get3A_254 : vector<16xf32>
        %get3A_256 = arith.constant 6 : i32
        %get3A_257 = arith.index_cast %get3A_256 : i32 to index
        %get3A_258 = arith.constant 32 : index
        %get3A_259 = tpu.vector_load %arg6[%get3A_257, %get3A_258] {strides = array<i32>} : memref<16x64xf32, #tpu.memory_space<vmem>>, vector<1x16xf32>,
        %get3A_260 = vector.shape_cast %get3A_259 : vector<1x16xf32> to vector<16xf32>
        %add3A_261 = arith.addf %add3A_255, %get3A_260 : vector<16xf32>
        %get3A_262 = arith.constant 7 : i32
        %get3A_263 = arith.index_cast %get3A_262 : i32 to index
        %get3A_264 = arith.constant 32 : index
        %get3A_265 = tpu.vector_load %arg6[%get3A_263, %get3A_264] {strides = array<i32>} : memref<16x64xf32, #tpu.memory_space<vmem>>, vector<1x16xf32>,
        %get3A_266 = vector.shape_cast %get3A_265 : vector<1x16xf32> to vector<16xf32>
        %add3A_267 = arith.addf %add3A_261, %get3A_266 : vector<16xf32>
        %get3A_268 = arith.constant 8 : i32
        %get3A_269 = arith.index_cast %get3A_268 : i32 to index
        %get3A_270 = arith.constant 32 : index
        %get3A_271 = tpu.vector_load %arg6[%get3A_269, %get3A_270] {strides = array<i32>} : memref<16x64xf32, #tpu.memory_space<vmem>>, vector<1x16xf32>,
        %get3A_272 = vector.shape_cast %get3A_271 : vector<1x16xf32> to vector<16xf32>
        %add3A_273 = arith.addf %add3A_267, %get3A_272 : vector<16xf32>
        %get3A_274 = arith.constant 9 : i32
        %get3A_275 = arith.index_cast %get3A_274 : i32 to index
        %get3A_276 = arith.constant 32 : index
        %get3A_277 = tpu.vector_load %arg6[%get3A_275, %get3A_276] {strides = array<i32>} : memref<16x64xf32, #tpu.memory_space<vmem>>, vector<1x16xf32>,
        %get3A_278 = vector.shape_cast %get3A_277 : vector<1x16xf32> to vector<16xf32>
        %add3A_279 = arith.addf %add3A_273, %get3A_278 : vector<16xf32>
        %get3A_280 = arith.constant 10 : i32
        %get3A_281 = arith.index_cast %get3A_280 : i32 to index
        %get3A_282 = arith.constant 32 : index
        %get3A_283 = tpu.vector_load %arg6[%get3A_281, %get3A_282] {strides = array<i32>} : memref<16x64xf32, #tpu.memory_space<vmem>>, vector<1x16xf32>,
        %get3A_284 = vector.shape_cast %get3A_283 : vector<1x16xf32> to vector<16xf32>
        %add3A_285 = arith.addf %add3A_279, %get3A_284 : vector<16xf32>
        %get3A_286 = arith.constant 11 : i32
        %get3A_287 = arith.index_cast %get3A_286 : i32 to index
        %get3A_288 = arith.constant 32 : index
        %get3A_289 = tpu.vector_load %arg6[%get3A_287, %get3A_288] {strides = array<i32>} : memref<16x64xf32, #tpu.memory_space<vmem>>, vector<1x16xf32>,
        %get3A_290 = vector.shape_cast %get3A_289 : vector<1x16xf32> to vector<16xf32>
        %add3A_291 = arith.addf %add3A_285, %get3A_290 : vector<16xf32>
        %get3A_292 = arith.constant 12 : i32
        %get3A_293 = arith.index_cast %get3A_292 : i32 to index
        %get3A_294 = arith.constant 32 : index
        %get3A_295 = tpu.vector_load %arg6[%get3A_293, %get3A_294] {strides = array<i32>} : memref<16x64xf32, #tpu.memory_space<vmem>>, vector<1x16xf32>,
        %get3A_296 = vector.shape_cast %get3A_295 : vector<1x16xf32> to vector<16xf32>
        %add3A_297 = arith.addf %add3A_291, %get3A_296 : vector<16xf32>
        %get3A_298 = arith.constant 13 : i32
        %get3A_299 = arith.index_cast %get3A_298 : i32 to index
        %get3A_300 = arith.constant 32 : index
        %get3A_301 = tpu.vector_load %arg6[%get3A_299, %get3A_300] {strides = array<i32>} : memref<16x64xf32, #tpu.memory_space<vmem>>, vector<1x16xf32>,
        %get3A_302 = vector.shape_cast %get3A_301 : vector<1x16xf32> to vector<16xf32>
        %add3A_303 = arith.addf %add3A_297, %get3A_302 : vector<16xf32>
        %get3A_304 = arith.constant 14 : i32
        %get3A_305 = arith.index_cast %get3A_304 : i32 to index
        %get3A_306 = arith.constant 32 : index
        %get3A_307 = tpu.vector_load %arg6[%get3A_305, %get3A_306] {strides = array<i32>} : memref<16x64xf32, #tpu.memory_space<vmem>>, vector<1x16xf32>,
        %get3A_308 = vector.shape_cast %get3A_307 : vector<1x16xf32> to vector<16xf32>
        %add3A_309 = arith.addf %add3A_303, %get3A_308 : vector<16xf32>
        %get3A_310 = arith.constant 15 : i32
        %get3A_311 = arith.index_cast %get3A_310 : i32 to index
        %get3A_312 = arith.constant 32 : index
        %get3A_313 = tpu.vector_load %arg6[%get3A_311, %get3A_312] {strides = array<i32>} : memref<16x64xf32, #tpu.memory_space<vmem>>, vector<1x16xf32>,
        %get3A_314 = vector.shape_cast %get3A_313 : vector<1x16xf32> to vector<16xf32>
        %add3A_315 = arith.addf %add3A_309, %get3A_314 : vector<16xf32>
        %swap3A_316 = arith.constant 32 : index
        %swap3A_317 = tpu.vector_load %arg7[%swap3A_316] {strides = array<i32>} : memref<64xf32, #tpu.memory_space<vmem>>, vector<16xf32>,
        %swap3A_318 = vector.shape_cast %swap3A_317 : vector<16xf32> to vector<16xf32>
        %swap3A_319 = vector.shape_cast %add3A_315 : vector<16xf32> to vector<16xf32>
        tpu.vector_store %arg7[%swap3A_316], %swap3A_319 {strides = array<i32>} : memref<64xf32, #tpu.memory_space<vmem>>, vector<16xf32>,
        %get3A_320 = arith.constant 0 : i32
        %get3A_321 = arith.index_cast %get3A_320 : i32 to index
        %get3A_322 = arith.constant 48 : index
        %get3A_323 = tpu.vector_load %arg6[%get3A_321, %get3A_322] {strides = array<i32>} : memref<16x64xf32, #tpu.memory_space<vmem>>, vector<1x16xf32>,
        %get3A_324 = vector.shape_cast %get3A_323 : vector<1x16xf32> to vector<16xf32>
        %get3A_325 = arith.constant 1 : i32
        %get3A_326 = arith.index_cast %get3A_325 : i32 to index
        %get3A_327 = arith.constant 48 : index
        %get3A_328 = tpu.vector_load %arg6[%get3A_326, %get3A_327] {strides = array<i32>} : memref<16x64xf32, #tpu.memory_space<vmem>>, vector<1x16xf32>,
        %get3A_329 = vector.shape_cast %get3A_328 : vector<1x16xf32> to vector<16xf32>
        %add3A_330 = arith.addf %get3A_324, %get3A_329 : vector<16xf32>
        %get3A_331 = arith.constant 2 : i32
        %get3A_332 = arith.index_cast %get3A_331 : i32 to index
        %get3A_333 = arith.constant 48 : index
        %get3A_334 = tpu.vector_load %arg6[%get3A_332, %get3A_333] {strides = array<i32>} : memref<16x64xf32, #tpu.memory_space<vmem>>, vector<1x16xf32>,
        %get3A_335 = vector.shape_cast %get3A_334 : vector<1x16xf32> to vector<16xf32>
        %add3A_336 = arith.addf %add3A_330, %get3A_335 : vector<16xf32>
        %get3A_337 = arith.constant 3 : i32
        %get3A_338 = arith.index_cast %get3A_337 : i32 to index
        %get3A_339 = arith.constant 48 : index
        %get3A_340 = tpu.vector_load %arg6[%get3A_338, %get3A_339] {strides = array<i32>} : memref<16x64xf32, #tpu.memory_space<vmem>>, vector<1x16xf32>,
        %get3A_341 = vector.shape_cast %get3A_340 : vector<1x16xf32> to vector<16xf32>
        %add3A_342 = arith.addf %add3A_336, %get3A_341 : vector<16xf32>
        %get3A_343 = arith.constant 4 : i32
        %get3A_344 = arith.index_cast %get3A_343 : i32 to index
        %get3A_345 = arith.constant 48 : index
        %get3A_346 = tpu.vector_load %arg6[%get3A_344, %get3A_345] {strides = array<i32>} : memref<16x64xf32, #tpu.memory_space<vmem>>, vector<1x16xf32>,
        %get3A_347 = vector.shape_cast %get3A_346 : vector<1x16xf32> to vector<16xf32>
        %add3A_348 = arith.addf %add3A_342, %get3A_347 : vector<16xf32>
        %get3A_349 = arith.constant 5 : i32
        %get3A_350 = arith.index_cast %get3A_349 : i32 to index
        %get3A_351 = arith.constant 48 : index
        %get3A_352 = tpu.vector_load %arg6[%get3A_350, %get3A_351] {strides = array<i32>} : memref<16x64xf32, #tpu.memory_space<vmem>>, vector<1x16xf32>,
        %get3A_353 = vector.shape_cast %get3A_352 : vector<1x16xf32> to vector<16xf32>
        %add3A_354 = arith.addf %add3A_348, %get3A_353 : vector<16xf32>
        %get3A_355 = arith.constant 6 : i32
        %get3A_356 = arith.index_cast %get3A_355 : i32 to index
        %get3A_357 = arith.constant 48 : index
        %get3A_358 = tpu.vector_load %arg6[%get3A_356, %get3A_357] {strides = array<i32>} : memref<16x64xf32, #tpu.memory_space<vmem>>, vector<1x16xf32>,
        %get3A_359 = vector.shape_cast %get3A_358 : vector<1x16xf32> to vector<16xf32>
        %add3A_360 = arith.addf %add3A_354, %get3A_359 : vector<16xf32>
        %get3A_361 = arith.constant 7 : i32
        %get3A_362 = arith.index_cast %get3A_361 : i32 to index
        %get3A_363 = arith.constant 48 : index
        %get3A_364 = tpu.vector_load %arg6[%get3A_362, %get3A_363] {strides = array<i32>} : memref<16x64xf32, #tpu.memory_space<vmem>>, vector<1x16xf32>,
        %get3A_365 = vector.shape_cast %get3A_364 : vector<1x16xf32> to vector<16xf32>
        %add3A_366 = arith.addf %add3A_360, %get3A_365 : vector<16xf32>
        %get3A_367 = arith.constant 8 : i32
        %get3A_368 = arith.index_cast %get3A_367 : i32 to index
        %get3A_369 = arith.constant 48 : index
        %get3A_370 = tpu.vector_load %arg6[%get3A_368, %get3A_369] {strides = array<i32>} : memref<16x64xf32, #tpu.memory_space<vmem>>, vector<1x16xf32>,
        %get3A_371 = vector.shape_cast %get3A_370 : vector<1x16xf32> to vector<16xf32>
        %add3A_372 = arith.addf %add3A_366, %get3A_371 : vector<16xf32>
        %get3A_373 = arith.constant 9 : i32
        %get3A_374 = arith.index_cast %get3A_373 : i32 to index
        %get3A_375 = arith.constant 48 : index
        %get3A_376 = tpu.vector_load %arg6[%get3A_374, %get3A_375] {strides = array<i32>} : memref<16x64xf32, #tpu.memory_space<vmem>>, vector<1x16xf32>,
        %get3A_377 = vector.shape_cast %get3A_376 : vector<1x16xf32> to vector<16xf32>
        %add3A_378 = arith.addf %add3A_372, %get3A_377 : vector<16xf32>
        %get3A_379 = arith.constant 10 : i32
        %get3A_380 = arith.index_cast %get3A_379 : i32 to index
        %get3A_381 = arith.constant 48 : index
        %get3A_382 = tpu.vector_load %arg6[%get3A_380, %get3A_381] {strides = array<i32>} : memref<16x64xf32, #tpu.memory_space<vmem>>, vector<1x16xf32>,
        %get3A_383 = vector.shape_cast %get3A_382 : vector<1x16xf32> to vector<16xf32>
        %add3A_384 = arith.addf %add3A_378, %get3A_383 : vector<16xf32>
        %get3A_385 = arith.constant 11 : i32
        %get3A_386 = arith.index_cast %get3A_385 : i32 to index
        %get3A_387 = arith.constant 48 : index
        %get3A_388 = tpu.vector_load %arg6[%get3A_386, %get3A_387] {strides = array<i32>} : memref<16x64xf32, #tpu.memory_space<vmem>>, vector<1x16xf32>,
        %get3A_389 = vector.shape_cast %get3A_388 : vector<1x16xf32> to vector<16xf32>
        %add3A_390 = arith.addf %add3A_384, %get3A_389 : vector<16xf32>
        %get3A_391 = arith.constant 12 : i32
        %get3A_392 = arith.index_cast %get3A_391 : i32 to index
        %get3A_393 = arith.constant 48 : index
        %get3A_394 = tpu.vector_load %arg6[%get3A_392, %get3A_393] {strides = array<i32>} : memref<16x64xf32, #tpu.memory_space<vmem>>, vector<1x16xf32>,
        %get3A_395 = vector.shape_cast %get3A_394 : vector<1x16xf32> to vector<16xf32>
        %add3A_396 = arith.addf %add3A_390, %get3A_395 : vector<16xf32>
        %get3A_397 = arith.constant 13 : i32
        %get3A_398 = arith.index_cast %get3A_397 : i32 to index
        %get3A_399 = arith.constant 48 : index
        %get3A_400 = tpu.vector_load %arg6[%get3A_398, %get3A_399] {strides = array<i32>} : memref<16x64xf32, #tpu.memory_space<vmem>>, vector<1x16xf32>,
        %get3A_401 = vector.shape_cast %get3A_400 : vector<1x16xf32> to vector<16xf32>
        %add3A_402 = arith.addf %add3A_396, %get3A_401 : vector<16xf32>
        %get3A_403 = arith.constant 14 : i32
        %get3A_404 = arith.index_cast %get3A_403 : i32 to index
        %get3A_405 = arith.constant 48 : index
        %get3A_406 = tpu.vector_load %arg6[%get3A_404, %get3A_405] {strides = array<i32>} : memref<16x64xf32, #tpu.memory_space<vmem>>, vector<1x16xf32>,
        %get3A_407 = vector.shape_cast %get3A_406 : vector<1x16xf32> to vector<16xf32>
        %add3A_408 = arith.addf %add3A_402, %get3A_407 : vector<16xf32>
        %get3A_409 = arith.constant 15 : i32
        %get3A_410 = arith.index_cast %get3A_409 : i32 to index
        %get3A_411 = arith.constant 48 : index
        %get3A_412 = tpu.vector_load %arg6[%get3A_410, %get3A_411] {strides = array<i32>} : memref<16x64xf32, #tpu.memory_space<vmem>>, vector<1x16xf32>,
        %get3A_413 = vector.shape_cast %get3A_412 : vector<1x16xf32> to vector<16xf32>
        %add3A_414 = arith.addf %add3A_408, %get3A_413 : vector<16xf32>
        %swap3A_415 = arith.constant 48 : index
        %swap3A_416 = tpu.vector_load %arg7[%swap3A_415] {strides = array<i32>} : memref<64xf32, #tpu.memory_space<vmem>>, vector<16xf32>,
        %swap3A_417 = vector.shape_cast %swap3A_416 : vector<16xf32> to vector<16xf32>
        %swap3A_418 = vector.shape_cast %add3A_414 : vector<16xf32> to vector<16xf32>
        tpu.vector_store %arg7[%swap3A_415], %swap3A_418 {strides = array<i32>} : memref<64xf32, #tpu.memory_space<vmem>>, vector<16xf32>,
      } else {
      }
      %eq3A_17 = arith.constant 12 : i32
      %eq3A_18 = arith.cmpi eq, %arg1, %eq3A_17 : i32
      %convert_element_type3A_19 = arith.extui %eq3A_18 : i1 to i32
      %cond3A_20 = arith.constant 0 : i32
      %cond3A_21 = arith.cmpi ne, %convert_element_type3A_19, %cond3A_20 : i32
      scf.if %cond3A_21 {
        %get3A = arith.constant 8 : i32
        %get3A_26 = arith.index_cast %get3A : i32 to index
        %get3A_27 = arith.constant 0 : index
        %get3A_28 = tpu.vector_load %arg6[%get3A_26, %get3A_27] {strides = array<i32>} : memref<16x64xf32, #tpu.memory_space<vmem>>, vector<1x16xf32>,
        %get3A_29 = vector.shape_cast %get3A_28 : vector<1x16xf32> to vector<16xf32>
        %get3A_30 = arith.constant 9 : i32
        %get3A_31 = arith.index_cast %get3A_30 : i32 to index
        %get3A_32 = arith.constant 0 : index
        %get3A_33 = tpu.vector_load %arg6[%get3A_31, %get3A_32] {strides = array<i32>} : memref<16x64xf32, #tpu.memory_space<vmem>>, vector<1x16xf32>,
        %get3A_34 = vector.shape_cast %get3A_33 : vector<1x16xf32> to vector<16xf32>
        %add3A = arith.addf %get3A_29, %get3A_34 : vector<16xf32>
        %get3A_35 = arith.constant 10 : i32
        %get3A_36 = arith.index_cast %get3A_35 : i32 to index
        %get3A_37 = arith.constant 0 : index
        %get3A_38 = tpu.vector_load %arg6[%get3A_36, %get3A_37] {strides = array<i32>} : memref<16x64xf32, #tpu.memory_space<vmem>>, vector<1x16xf32>,
        %get3A_39 = vector.shape_cast %get3A_38 : vector<1x16xf32> to vector<16xf32>
        %add3A_40 = arith.addf %add3A, %get3A_39 : vector<16xf32>
        %get3A_41 = arith.constant 11 : i32
        %get3A_42 = arith.index_cast %get3A_41 : i32 to index
        %get3A_43 = arith.constant 0 : index
        %get3A_44 = tpu.vector_load %arg6[%get3A_42, %get3A_43] {strides = array<i32>} : memref<16x64xf32, #tpu.memory_space<vmem>>, vector<1x16xf32>,
        %get3A_45 = vector.shape_cast %get3A_44 : vector<1x16xf32> to vector<16xf32>
        %add3A_46 = arith.addf %add3A_40, %get3A_45 : vector<16xf32>
        %get3A_47 = arith.constant 12 : i32
        %get3A_48 = arith.index_cast %get3A_47 : i32 to index
        %get3A_49 = arith.constant 0 : index
        %get3A_50 = tpu.vector_load %arg6[%get3A_48, %get3A_49] {strides = array<i32>} : memref<16x64xf32, #tpu.memory_space<vmem>>, vector<1x16xf32>,
        %get3A_51 = vector.shape_cast %get3A_50 : vector<1x16xf32> to vector<16xf32>
        %add3A_52 = arith.addf %add3A_46, %get3A_51 : vector<16xf32>
        %get3A_53 = arith.constant 13 : i32
        %get3A_54 = arith.index_cast %get3A_53 : i32 to index
        %get3A_55 = arith.constant 0 : index
        %get3A_56 = tpu.vector_load %arg6[%get3A_54, %get3A_55] {strides = array<i32>} : memref<16x64xf32, #tpu.memory_space<vmem>>, vector<1x16xf32>,
        %get3A_57 = vector.shape_cast %get3A_56 : vector<1x16xf32> to vector<16xf32>
        %add3A_58 = arith.addf %add3A_52, %get3A_57 : vector<16xf32>
        %get3A_59 = arith.constant 14 : i32
        %get3A_60 = arith.index_cast %get3A_59 : i32 to index
        %get3A_61 = arith.constant 0 : index
        %get3A_62 = tpu.vector_load %arg6[%get3A_60, %get3A_61] {strides = array<i32>} : memref<16x64xf32, #tpu.memory_space<vmem>>, vector<1x16xf32>,
        %get3A_63 = vector.shape_cast %get3A_62 : vector<1x16xf32> to vector<16xf32>
        %add3A_64 = arith.addf %add3A_58, %get3A_63 : vector<16xf32>
        %get3A_65 = arith.constant 15 : i32
        %get3A_66 = arith.index_cast %get3A_65 : i32 to index
        %get3A_67 = arith.constant 0 : index
        %get3A_68 = tpu.vector_load %arg6[%get3A_66, %get3A_67] {strides = array<i32>} : memref<16x64xf32, #tpu.memory_space<vmem>>, vector<1x16xf32>,
        %get3A_69 = vector.shape_cast %get3A_68 : vector<1x16xf32> to vector<16xf32>
        %add3A_70 = arith.addf %add3A_64, %get3A_69 : vector<16xf32>
        %swap3A = arith.constant 0 : index
        %swap3A_71 = tpu.vector_load %arg7[%swap3A] {strides = array<i32>} : memref<64xf32, #tpu.memory_space<vmem>>, vector<16xf32>,
        %swap3A_72 = vector.shape_cast %swap3A_71 : vector<16xf32> to vector<16xf32>
        %swap3A_73 = vector.shape_cast %add3A_70 : vector<16xf32> to vector<16xf32>
        tpu.vector_store %arg7[%swap3A], %swap3A_73 {strides = array<i32>} : memref<64xf32, #tpu.memory_space<vmem>>, vector<16xf32>,
        %get3A_74 = arith.constant 8 : i32
        %get3A_75 = arith.index_cast %get3A_74 : i32 to index
        %get3A_76 = arith.constant 16 : index
        %get3A_77 = tpu.vector_load %arg6[%get3A_75, %get3A_76] {strides = array<i32>} : memref<16x64xf32, #tpu.memory_space<vmem>>, vector<1x16xf32>,
        %get3A_78 = vector.shape_cast %get3A_77 : vector<1x16xf32> to vector<16xf32>
        %get3A_79 = arith.constant 9 : i32
        %get3A_80 = arith.index_cast %get3A_79 : i32 to index
        %get3A_81 = arith.constant 16 : index
        %get3A_82 = tpu.vector_load %arg6[%get3A_80, %get3A_81] {strides = array<i32>} : memref<16x64xf32, #tpu.memory_space<vmem>>, vector<1x16xf32>,
        %get3A_83 = vector.shape_cast %get3A_82 : vector<1x16xf32> to vector<16xf32>
        %add3A_84 = arith.addf %get3A_78, %get3A_83 : vector<16xf32>
        %get3A_85 = arith.constant 10 : i32
        %get3A_86 = arith.index_cast %get3A_85 : i32 to index
        %get3A_87 = arith.constant 16 : index
        %get3A_88 = tpu.vector_load %arg6[%get3A_86, %get3A_87] {strides = array<i32>} : memref<16x64xf32, #tpu.memory_space<vmem>>, vector<1x16xf32>,
        %get3A_89 = vector.shape_cast %get3A_88 : vector<1x16xf32> to vector<16xf32>
        %add3A_90 = arith.addf %add3A_84, %get3A_89 : vector<16xf32>
        %get3A_91 = arith.constant 11 : i32
        %get3A_92 = arith.index_cast %get3A_91 : i32 to index
        %get3A_93 = arith.constant 16 : index
        %get3A_94 = tpu.vector_load %arg6[%get3A_92, %get3A_93] {strides = array<i32>} : memref<16x64xf32, #tpu.memory_space<vmem>>, vector<1x16xf32>,
        %get3A_95 = vector.shape_cast %get3A_94 : vector<1x16xf32> to vector<16xf32>
        %add3A_96 = arith.addf %add3A_90, %get3A_95 : vector<16xf32>
        %get3A_97 = arith.constant 12 : i32
        %get3A_98 = arith.index_cast %get3A_97 : i32 to index
        %get3A_99 = arith.constant 16 : index
        %get3A_100 = tpu.vector_load %arg6[%get3A_98, %get3A_99] {strides = array<i32>} : memref<16x64xf32, #tpu.memory_space<vmem>>, vector<1x16xf32>,
        %get3A_101 = vector.shape_cast %get3A_100 : vector<1x16xf32> to vector<16xf32>
        %add3A_102 = arith.addf %add3A_96, %get3A_101 : vector<16xf32>
        %get3A_103 = arith.constant 13 : i32
        %get3A_104 = arith.index_cast %get3A_103 : i32 to index
        %get3A_105 = arith.constant 16 : index
        %get3A_106 = tpu.vector_load %arg6[%get3A_104, %get3A_105] {strides = array<i32>} : memref<16x64xf32, #tpu.memory_space<vmem>>, vector<1x16xf32>,
        %get3A_107 = vector.shape_cast %get3A_106 : vector<1x16xf32> to vector<16xf32>
        %add3A_108 = arith.addf %add3A_102, %get3A_107 : vector<16xf32>
        %get3A_109 = arith.constant 14 : i32
        %get3A_110 = arith.index_cast %get3A_109 : i32 to index
        %get3A_111 = arith.constant 16 : index
        %get3A_112 = tpu.vector_load %arg6[%get3A_110, %get3A_111] {strides = array<i32>} : memref<16x64xf32, #tpu.memory_space<vmem>>, vector<1x16xf32>,
        %get3A_113 = vector.shape_cast %get3A_112 : vector<1x16xf32> to vector<16xf32>
        %add3A_114 = arith.addf %add3A_108, %get3A_113 : vector<16xf32>
        %get3A_115 = arith.constant 15 : i32
        %get3A_116 = arith.index_cast %get3A_115 : i32 to index
        %get3A_117 = arith.constant 16 : index
        %get3A_118 = tpu.vector_load %arg6[%get3A_116, %get3A_117] {strides = array<i32>} : memref<16x64xf32, #tpu.memory_space<vmem>>, vector<1x16xf32>,
        %get3A_119 = vector.shape_cast %get3A_118 : vector<1x16xf32> to vector<16xf32>
        %add3A_120 = arith.addf %add3A_114, %get3A_119 : vector<16xf32>
        %swap3A_121 = arith.constant 16 : index
        %swap3A_122 = tpu.vector_load %arg7[%swap3A_121] {strides = array<i32>} : memref<64xf32, #tpu.memory_space<vmem>>, vector<16xf32>,
        %swap3A_123 = vector.shape_cast %swap3A_122 : vector<16xf32> to vector<16xf32>
        %swap3A_124 = vector.shape_cast %add3A_120 : vector<16xf32> to vector<16xf32>
        tpu.vector_store %arg7[%swap3A_121], %swap3A_124 {strides = array<i32>} : memref<64xf32, #tpu.memory_space<vmem>>, vector<16xf32>,
        %get3A_125 = arith.constant 8 : i32
        %get3A_126 = arith.index_cast %get3A_125 : i32 to index
        %get3A_127 = arith.constant 32 : index
        %get3A_128 = tpu.vector_load %arg6[%get3A_126, %get3A_127] {strides = array<i32>} : memref<16x64xf32, #tpu.memory_space<vmem>>, vector<1x16xf32>,
        %get3A_129 = vector.shape_cast %get3A_128 : vector<1x16xf32> to vector<16xf32>
        %get3A_130 = arith.constant 9 : i32
        %get3A_131 = arith.index_cast %get3A_130 : i32 to index
        %get3A_132 = arith.constant 32 : index
        %get3A_133 = tpu.vector_load %arg6[%get3A_131, %get3A_132] {strides = array<i32>} : memref<16x64xf32, #tpu.memory_space<vmem>>, vector<1x16xf32>,
        %get3A_134 = vector.shape_cast %get3A_133 : vector<1x16xf32> to vector<16xf32>
        %add3A_135 = arith.addf %get3A_129, %get3A_134 : vector<16xf32>
        %get3A_136 = arith.constant 10 : i32
        %get3A_137 = arith.index_cast %get3A_136 : i32 to index
        %get3A_138 = arith.constant 32 : index
        %get3A_139 = tpu.vector_load %arg6[%get3A_137, %get3A_138] {strides = array<i32>} : memref<16x64xf32, #tpu.memory_space<vmem>>, vector<1x16xf32>,
        %get3A_140 = vector.shape_cast %get3A_139 : vector<1x16xf32> to vector<16xf32>
        %add3A_141 = arith.addf %add3A_135, %get3A_140 : vector<16xf32>
        %get3A_142 = arith.constant 11 : i32
        %get3A_143 = arith.index_cast %get3A_142 : i32 to index
        %get3A_144 = arith.constant 32 : index
        %get3A_145 = tpu.vector_load %arg6[%get3A_143, %get3A_144] {strides = array<i32>} : memref<16x64xf32, #tpu.memory_space<vmem>>, vector<1x16xf32>,
        %get3A_146 = vector.shape_cast %get3A_145 : vector<1x16xf32> to vector<16xf32>
        %add3A_147 = arith.addf %add3A_141, %get3A_146 : vector<16xf32>
        %get3A_148 = arith.constant 12 : i32
        %get3A_149 = arith.index_cast %get3A_148 : i32 to index
        %get3A_150 = arith.constant 32 : index
        %get3A_151 = tpu.vector_load %arg6[%get3A_149, %get3A_150] {strides = array<i32>} : memref<16x64xf32, #tpu.memory_space<vmem>>, vector<1x16xf32>,
        %get3A_152 = vector.shape_cast %get3A_151 : vector<1x16xf32> to vector<16xf32>
        %add3A_153 = arith.addf %add3A_147, %get3A_152 : vector<16xf32>
        %get3A_154 = arith.constant 13 : i32
        %get3A_155 = arith.index_cast %get3A_154 : i32 to index
        %get3A_156 = arith.constant 32 : index
        %get3A_157 = tpu.vector_load %arg6[%get3A_155, %get3A_156] {strides = array<i32>} : memref<16x64xf32, #tpu.memory_space<vmem>>, vector<1x16xf32>,
        %get3A_158 = vector.shape_cast %get3A_157 : vector<1x16xf32> to vector<16xf32>
        %add3A_159 = arith.addf %add3A_153, %get3A_158 : vector<16xf32>
        %get3A_160 = arith.constant 14 : i32
        %get3A_161 = arith.index_cast %get3A_160 : i32 to index
        %get3A_162 = arith.constant 32 : index
        %get3A_163 = tpu.vector_load %arg6[%get3A_161, %get3A_162] {strides = array<i32>} : memref<16x64xf32, #tpu.memory_space<vmem>>, vector<1x16xf32>,
        %get3A_164 = vector.shape_cast %get3A_163 : vector<1x16xf32> to vector<16xf32>
        %add3A_165 = arith.addf %add3A_159, %get3A_164 : vector<16xf32>
        %get3A_166 = arith.constant 15 : i32
        %get3A_167 = arith.index_cast %get3A_166 : i32 to index
        %get3A_168 = arith.constant 32 : index
        %get3A_169 = tpu.vector_load %arg6[%get3A_167, %get3A_168] {strides = array<i32>} : memref<16x64xf32, #tpu.memory_space<vmem>>, vector<1x16xf32>,
        %get3A_170 = vector.shape_cast %get3A_169 : vector<1x16xf32> to vector<16xf32>
        %add3A_171 = arith.addf %add3A_165, %get3A_170 : vector<16xf32>
        %swap3A_172 = arith.constant 32 : index
        %swap3A_173 = tpu.vector_load %arg7[%swap3A_172] {strides = array<i32>} : memref<64xf32, #tpu.memory_space<vmem>>, vector<16xf32>,
        %swap3A_174 = vector.shape_cast %swap3A_173 : vector<16xf32> to vector<16xf32>
        %swap3A_175 = vector.shape_cast %add3A_171 : vector<16xf32> to vector<16xf32>
        tpu.vector_store %arg7[%swap3A_172], %swap3A_175 {strides = array<i32>} : memref<64xf32, #tpu.memory_space<vmem>>, vector<16xf32>,
        %get3A_176 = arith.constant 8 : i32
        %get3A_177 = arith.index_cast %get3A_176 : i32 to index
        %get3A_178 = arith.constant 48 : index
        %get3A_179 = tpu.vector_load %arg6[%get3A_177, %get3A_178] {strides = array<i32>} : memref<16x64xf32, #tpu.memory_space<vmem>>, vector<1x16xf32>,
        %get3A_180 = vector.shape_cast %get3A_179 : vector<1x16xf32> to vector<16xf32>
        %get3A_181 = arith.constant 9 : i32
        %get3A_182 = arith.index_cast %get3A_181 : i32 to index
        %get3A_183 = arith.constant 48 : index
        %get3A_184 = tpu.vector_load %arg6[%get3A_182, %get3A_183] {strides = array<i32>} : memref<16x64xf32, #tpu.memory_space<vmem>>, vector<1x16xf32>,
        %get3A_185 = vector.shape_cast %get3A_184 : vector<1x16xf32> to vector<16xf32>
        %add3A_186 = arith.addf %get3A_180, %get3A_185 : vector<16xf32>
        %get3A_187 = arith.constant 10 : i32
        %get3A_188 = arith.index_cast %get3A_187 : i32 to index
        %get3A_189 = arith.constant 48 : index
        %get3A_190 = tpu.vector_load %arg6[%get3A_188, %get3A_189] {strides = array<i32>} : memref<16x64xf32, #tpu.memory_space<vmem>>, vector<1x16xf32>,
        %get3A_191 = vector.shape_cast %get3A_190 : vector<1x16xf32> to vector<16xf32>
        %add3A_192 = arith.addf %add3A_186, %get3A_191 : vector<16xf32>
        %get3A_193 = arith.constant 11 : i32
        %get3A_194 = arith.index_cast %get3A_193 : i32 to index
        %get3A_195 = arith.constant 48 : index
        %get3A_196 = tpu.vector_load %arg6[%get3A_194, %get3A_195] {strides = array<i32>} : memref<16x64xf32, #tpu.memory_space<vmem>>, vector<1x16xf32>,
        %get3A_197 = vector.shape_cast %get3A_196 : vector<1x16xf32> to vector<16xf32>
        %add3A_198 = arith.addf %add3A_192, %get3A_197 : vector<16xf32>
        %get3A_199 = arith.constant 12 : i32
        %get3A_200 = arith.index_cast %get3A_199 : i32 to index
        %get3A_201 = arith.constant 48 : index
        %get3A_202 = tpu.vector_load %arg6[%get3A_200, %get3A_201] {strides = array<i32>} : memref<16x64xf32, #tpu.memory_space<vmem>>, vector<1x16xf32>,
        %get3A_203 = vector.shape_cast %get3A_202 : vector<1x16xf32> to vector<16xf32>
        %add3A_204 = arith.addf %add3A_198, %get3A_203 : vector<16xf32>
        %get3A_205 = arith.constant 13 : i32
        %get3A_206 = arith.index_cast %get3A_205 : i32 to index
        %get3A_207 = arith.constant 48 : index
        %get3A_208 = tpu.vector_load %arg6[%get3A_206, %get3A_207] {strides = array<i32>} : memref<16x64xf32, #tpu.memory_space<vmem>>, vector<1x16xf32>,
        %get3A_209 = vector.shape_cast %get3A_208 : vector<1x16xf32> to vector<16xf32>
        %add3A_210 = arith.addf %add3A_204, %get3A_209 : vector<16xf32>
        %get3A_211 = arith.constant 14 : i32
        %get3A_212 = arith.index_cast %get3A_211 : i32 to index
        %get3A_213 = arith.constant 48 : index
        %get3A_214 = tpu.vector_load %arg6[%get3A_212, %get3A_213] {strides = array<i32>} : memref<16x64xf32, #tpu.memory_space<vmem>>, vector<1x16xf32>,
        %get3A_215 = vector.shape_cast %get3A_214 : vector<1x16xf32> to vector<16xf32>
        %add3A_216 = arith.addf %add3A_210, %get3A_215 : vector<16xf32>
        %get3A_217 = arith.constant 15 : i32
        %get3A_218 = arith.index_cast %get3A_217 : i32 to index
        %get3A_219 = arith.constant 48 : index
        %get3A_220 = tpu.vector_load %arg6[%get3A_218, %get3A_219] {strides = array<i32>} : memref<16x64xf32, #tpu.memory_space<vmem>>, vector<1x16xf32>,
        %get3A_221 = vector.shape_cast %get3A_220 : vector<1x16xf32> to vector<16xf32>
        %add3A_222 = arith.addf %add3A_216, %get3A_221 : vector<16xf32>
        %swap3A_223 = arith.constant 48 : index
        %swap3A_224 = tpu.vector_load %arg7[%swap3A_223] {strides = array<i32>} : memref<64xf32, #tpu.memory_space<vmem>>, vector<16xf32>,
        %swap3A_225 = vector.shape_cast %swap3A_224 : vector<16xf32> to vector<16xf32>
        %swap3A_226 = vector.shape_cast %add3A_222 : vector<16xf32> to vector<16xf32>
        tpu.vector_store %arg7[%swap3A_223], %swap3A_226 {strides = array<i32>} : memref<64xf32, #tpu.memory_space<vmem>>, vector<16xf32>,
      } else {
      }
      %gt3A = arith.constant 0 : i32
      %gt3A_22 = arith.cmpi sgt, %arg1, %gt3A : i32
      %convert_element_type3A_23 = arith.extui %gt3A_22 : i1 to i32
      %cond3A_24 = arith.constant 0 : i32
      %cond3A_25 = arith.cmpi ne, %convert_element_type3A_23, %cond3A_24 : i32
      scf.if %cond3A_25 {
        %sub3A = arith.constant 1 : i32
        %sub3A_26 = arith.subi %arg1, %sub3A : i32
        "tpu.region"() ({
          %run_scoped3A = tpu.sem_alloc : memref<!tpu.dma_semaphore, #tpu.memory_space<semaphore_mem>>
          %dma_start3A_27 = arith.constant 0 : i32
          %dma_start3A_28 = tpu.memref_slice %arg8[%sub3A_26, %dma_start3A_27] : memref<12x64xf32, #tpu.memory_space<vmem_shared>> -> memref<1x64xf32, #tpu.memory_space<vmem_shared>>
          %dma_start3A_29 = tpu.memref_squeeze %dma_start3A_28 : memref<1x64xf32, #tpu.memory_space<vmem_shared>> -> memref<64xf32, #tpu.memory_space<vmem_shared>>
          %dma_start3A_30 = arith.constant 0 : i32
          %dma_start3A_31 = tpu.memref_slice %arg8[%sub3A_26, %dma_start3A_30] : memref<12x64xf32, #tpu.memory_space<vmem_shared>> -> memref<1x64xf32, #tpu.memory_space<vmem_shared>>
          %dma_start3A_32 = tpu.memref_squeeze %dma_start3A_31 : memref<1x64xf32, #tpu.memory_space<vmem_shared>> -> memref<64xf32, #tpu.memory_space<vmem_shared>>
          tpu.enqueue_dma source(%arg7 : memref<64xf32, #tpu.memory_space<vmem>>) target(%dma_start3A_32 : memref<64xf32, #tpu.memory_space<vmem_shared>>) target_semaphore(%run_scoped3A : memref<!tpu.dma_semaphore, #tpu.memory_space<semaphore_mem>>)
          %dma_wait3A_33 = arith.constant 0 : i32
          %dma_wait3A_34 = tpu.memref_slice %arg8[%sub3A_26, %dma_wait3A_33] : memref<12x64xf32, #tpu.memory_space<vmem_shared>> -> memref<1x64xf32, #tpu.memory_space<vmem_shared>>
          %dma_wait3A_35 = tpu.memref_squeeze %dma_wait3A_34 : memref<1x64xf32, #tpu.memory_space<vmem_shared>> -> memref<64xf32, #tpu.memory_space<vmem_shared>>
          %dma_wait3A_36 = arith.constant 0 : i32
          %dma_wait3A_37 = tpu.memref_slice %arg8[%sub3A_26, %dma_wait3A_36] : memref<12x64xf32, #tpu.memory_space<vmem_shared>> -> memref<1x64xf32, #tpu.memory_space<vmem_shared>>
          %dma_wait3A_38 = tpu.memref_squeeze %dma_wait3A_37 : memref<1x64xf32, #tpu.memory_space<vmem_shared>> -> memref<64xf32, #tpu.memory_space<vmem_shared>>
          tpu.wait_dma2 semaphore(%run_scoped3A : memref<!tpu.dma_semaphore, #tpu.memory_space<semaphore_mem>>) src(%arg7 : memref<64xf32, #tpu.memory_space<vmem>>) dst(%dma_wait3A_38 : memref<64xf32, #tpu.memory_space<vmem_shared>>)
          tpu.yield
        }) : () -> ()
      } else {
      }
    } else {
    }
    %barrier3A = arith.constant 0 : index
    tpu.barrier barrier_id(%barrier3A)
    %eq3A = arith.constant 0 : i32
    %eq3A_4 = arith.cmpi eq, %arg1, %eq3A : i32
    %convert_element_type3A_5 = arith.extui %eq3A_4 : i1 to i32
    %cond3A_6 = arith.constant 0 : i32
    %cond3A_7 = arith.cmpi ne, %convert_element_type3A_5, %cond3A_6 : i32
    scf.if %cond3A_7 {
      "tpu.region"() ({
        %run_scoped3A = tpu.sem_alloc : memref<!tpu.dma_semaphore, #tpu.memory_space<semaphore_mem>>
        tpu.enqueue_dma source(%arg8 : memref<12x64xf32, #tpu.memory_space<vmem_shared>>) target(%arg9 : memref<12x64xf32, #tpu.memory_space<vmem>>) target_semaphore(%run_scoped3A : memref<!tpu.dma_semaphore, #tpu.memory_space<semaphore_mem>>)
        tpu.wait_dma2 semaphore(%run_scoped3A : memref<!tpu.dma_semaphore, #tpu.memory_space<semaphore_mem>>) src(%arg8 : memref<12x64xf32, #tpu.memory_space<vmem_shared>>) dst(%arg9 : memref<12x64xf32, #tpu.memory_space<vmem>>)
        tpu.yield
      }) : () -> ()
      %get3A = arith.constant 0 : index
      %get3A_8 = tpu.vector_load %arg7[%get3A] {strides = array<i32>} : memref<64xf32, #tpu.memory_space<vmem>>, vector<16xf32>,
      %get3A_9 = vector.shape_cast %get3A_8 : vector<16xf32> to vector<16xf32>
      %get3A_10 = arith.constant 0 : i32
      %get3A_11 = arith.index_cast %get3A_10 : i32 to index
      %get3A_12 = arith.constant 0 : index
      %get3A_13 = tpu.vector_load %arg9[%get3A_11, %get3A_12] {strides = array<i32>} : memref<12x64xf32, #tpu.memory_space<vmem>>, vector<1x16xf32>,
      %get3A_14 = vector.shape_cast %get3A_13 : vector<1x16xf32> to vector<16xf32>
      %add3A = arith.addf %get3A_9, %get3A_14 : vector<16xf32>
      %get3A_15 = arith.constant 1 : i32
      %get3A_16 = arith.index_cast %get3A_15 : i32 to index
      %get3A_17 = arith.constant 0 : index
      %get3A_18 = tpu.vector_load %arg9[%get3A_16, %get3A_17] {strides = array<i32>} : memref<12x64xf32, #tpu.memory_space<vmem>>, vector<1x16xf32>,
      %get3A_19 = vector.shape_cast %get3A_18 : vector<1x16xf32> to vector<16xf32>
      %add3A_20 = arith.addf %add3A, %get3A_19 : vector<16xf32>
      %get3A_21 = arith.constant 2 : i32
      %get3A_22 = arith.index_cast %get3A_21 : i32 to index
      %get3A_23 = arith.constant 0 : index
      %get3A_24 = tpu.vector_load %arg9[%get3A_22, %get3A_23] {strides = array<i32>} : memref<12x64xf32, #tpu.memory_space<vmem>>, vector<1x16xf32>,
      %get3A_25 = vector.shape_cast %get3A_24 : vector<1x16xf32> to vector<16xf32>
      %add3A_26 = arith.addf %add3A_20, %get3A_25 : vector<16xf32>
      %get3A_27 = arith.constant 3 : i32
      %get3A_28 = arith.index_cast %get3A_27 : i32 to index
      %get3A_29 = arith.constant 0 : index
      %get3A_30 = tpu.vector_load %arg9[%get3A_28, %get3A_29] {strides = array<i32>} : memref<12x64xf32, #tpu.memory_space<vmem>>, vector<1x16xf32>,
      %get3A_31 = vector.shape_cast %get3A_30 : vector<1x16xf32> to vector<16xf32>
      %add3A_32 = arith.addf %add3A_26, %get3A_31 : vector<16xf32>
      %get3A_33 = arith.constant 4 : i32
      %get3A_34 = arith.index_cast %get3A_33 : i32 to index
      %get3A_35 = arith.constant 0 : index
      %get3A_36 = tpu.vector_load %arg9[%get3A_34, %get3A_35] {strides = array<i32>} : memref<12x64xf32, #tpu.memory_space<vmem>>, vector<1x16xf32>,
      %get3A_37 = vector.shape_cast %get3A_36 : vector<1x16xf32> to vector<16xf32>
      %add3A_38 = arith.addf %add3A_32, %get3A_37 : vector<16xf32>
      %get3A_39 = arith.constant 5 : i32
      %get3A_40 = arith.index_cast %get3A_39 : i32 to index
      %get3A_41 = arith.constant 0 : index
      %get3A_42 = tpu.vector_load %arg9[%get3A_40, %get3A_41] {strides = array<i32>} : memref<12x64xf32, #tpu.memory_space<vmem>>, vector<1x16xf32>,
      %get3A_43 = vector.shape_cast %get3A_42 : vector<1x16xf32> to vector<16xf32>
      %add3A_44 = arith.addf %add3A_38, %get3A_43 : vector<16xf32>
      %get3A_45 = arith.constant 6 : i32
      %get3A_46 = arith.index_cast %get3A_45 : i32 to index
      %get3A_47 = arith.constant 0 : index
      %get3A_48 = tpu.vector_load %arg9[%get3A_46, %get3A_47] {strides = array<i32>} : memref<12x64xf32, #tpu.memory_space<vmem>>, vector<1x16xf32>,
      %get3A_49 = vector.shape_cast %get3A_48 : vector<1x16xf32> to vector<16xf32>
      %add3A_50 = arith.addf %add3A_44, %get3A_49 : vector<16xf32>
      %get3A_51 = arith.constant 7 : i32
      %get3A_52 = arith.index_cast %get3A_51 : i32 to index
      %get3A_53 = arith.constant 0 : index
      %get3A_54 = tpu.vector_load %arg9[%get3A_52, %get3A_53] {strides = array<i32>} : memref<12x64xf32, #tpu.memory_space<vmem>>, vector<1x16xf32>,
      %get3A_55 = vector.shape_cast %get3A_54 : vector<1x16xf32> to vector<16xf32>
      %add3A_56 = arith.addf %add3A_50, %get3A_55 : vector<16xf32>
      %get3A_57 = arith.constant 8 : i32
      %get3A_58 = arith.index_cast %get3A_57 : i32 to index
      %get3A_59 = arith.constant 0 : index
      %get3A_60 = tpu.vector_load %arg9[%get3A_58, %get3A_59] {strides = array<i32>} : memref<12x64xf32, #tpu.memory_space<vmem>>, vector<1x16xf32>,
      %get3A_61 = vector.shape_cast %get3A_60 : vector<1x16xf32> to vector<16xf32>
      %add3A_62 = arith.addf %add3A_56, %get3A_61 : vector<16xf32>
      %get3A_63 = arith.constant 9 : i32
      %get3A_64 = arith.index_cast %get3A_63 : i32 to index
      %get3A_65 = arith.constant 0 : index
      %get3A_66 = tpu.vector_load %arg9[%get3A_64, %get3A_65] {strides = array<i32>} : memref<12x64xf32, #tpu.memory_space<vmem>>, vector<1x16xf32>,
      %get3A_67 = vector.shape_cast %get3A_66 : vector<1x16xf32> to vector<16xf32>
      %add3A_68 = arith.addf %add3A_62, %get3A_67 : vector<16xf32>
      %get3A_69 = arith.constant 10 : i32
      %get3A_70 = arith.index_cast %get3A_69 : i32 to index
      %get3A_71 = arith.constant 0 : index
      %get3A_72 = tpu.vector_load %arg9[%get3A_70, %get3A_71] {strides = array<i32>} : memref<12x64xf32, #tpu.memory_space<vmem>>, vector<1x16xf32>,
      %get3A_73 = vector.shape_cast %get3A_72 : vector<1x16xf32> to vector<16xf32>
      %add3A_74 = arith.addf %add3A_68, %get3A_73 : vector<16xf32>
      %get3A_75 = arith.constant 11 : i32
      %get3A_76 = arith.index_cast %get3A_75 : i32 to index
      %get3A_77 = arith.constant 0 : index
      %get3A_78 = tpu.vector_load %arg9[%get3A_76, %get3A_77] {strides = array<i32>} : memref<12x64xf32, #tpu.memory_space<vmem>>, vector<1x16xf32>,
      %get3A_79 = vector.shape_cast %get3A_78 : vector<1x16xf32> to vector<16xf32>
      %add3A_80 = arith.addf %add3A_74, %get3A_79 : vector<16xf32>
      %mul3A_81 = arith.constant 5.000000e-03 : f32
      %mul3A_82 = vector.broadcast %mul3A_81 : f32 to vector<16xf32>
      %mul3A_83 = arith.mulf %add3A_80, %mul3A_82 : vector<16xf32>
      %max3A = arith.constant 0.000000e+00 : f32
      %max3A_84 = vector.broadcast %max3A : f32 to vector<16xf32>
      %max3A_85 = arith.maximumf %mul3A_83, %max3A_84 : vector<16xf32>
      %swap3A = arith.constant 0 : index
      %swap3A_86 = tpu.vector_load %arg10[%swap3A] {strides = array<i32>} : memref<64xf32, #tpu.memory_space<vmem>>, vector<16xf32>,
      %swap3A_87 = vector.shape_cast %swap3A_86 : vector<16xf32> to vector<16xf32>
      %swap3A_88 = vector.shape_cast %max3A_85 : vector<16xf32> to vector<16xf32>
      tpu.vector_store %arg10[%swap3A], %swap3A_88 {strides = array<i32>} : memref<64xf32, #tpu.memory_space<vmem>>, vector<16xf32>,
      %get3A_89 = arith.constant 16 : index
      %get3A_90 = tpu.vector_load %arg7[%get3A_89] {strides = array<i32>} : memref<64xf32, #tpu.memory_space<vmem>>, vector<16xf32>,
      %get3A_91 = vector.shape_cast %get3A_90 : vector<16xf32> to vector<16xf32>
      %get3A_92 = arith.constant 0 : i32
      %get3A_93 = arith.index_cast %get3A_92 : i32 to index
      %get3A_94 = arith.constant 16 : index
      %get3A_95 = tpu.vector_load %arg9[%get3A_93, %get3A_94] {strides = array<i32>} : memref<12x64xf32, #tpu.memory_space<vmem>>, vector<1x16xf32>,
      %get3A_96 = vector.shape_cast %get3A_95 : vector<1x16xf32> to vector<16xf32>
      %add3A_97 = arith.addf %get3A_91, %get3A_96 : vector<16xf32>
      %get3A_98 = arith.constant 1 : i32
      %get3A_99 = arith.index_cast %get3A_98 : i32 to index
      %get3A_100 = arith.constant 16 : index
      %get3A_101 = tpu.vector_load %arg9[%get3A_99, %get3A_100] {strides = array<i32>} : memref<12x64xf32, #tpu.memory_space<vmem>>, vector<1x16xf32>,
      %get3A_102 = vector.shape_cast %get3A_101 : vector<1x16xf32> to vector<16xf32>
      %add3A_103 = arith.addf %add3A_97, %get3A_102 : vector<16xf32>
      %get3A_104 = arith.constant 2 : i32
      %get3A_105 = arith.index_cast %get3A_104 : i32 to index
      %get3A_106 = arith.constant 16 : index
      %get3A_107 = tpu.vector_load %arg9[%get3A_105, %get3A_106] {strides = array<i32>} : memref<12x64xf32, #tpu.memory_space<vmem>>, vector<1x16xf32>,
      %get3A_108 = vector.shape_cast %get3A_107 : vector<1x16xf32> to vector<16xf32>
      %add3A_109 = arith.addf %add3A_103, %get3A_108 : vector<16xf32>
      %get3A_110 = arith.constant 3 : i32
      %get3A_111 = arith.index_cast %get3A_110 : i32 to index
      %get3A_112 = arith.constant 16 : index
      %get3A_113 = tpu.vector_load %arg9[%get3A_111, %get3A_112] {strides = array<i32>} : memref<12x64xf32, #tpu.memory_space<vmem>>, vector<1x16xf32>,
      %get3A_114 = vector.shape_cast %get3A_113 : vector<1x16xf32> to vector<16xf32>
      %add3A_115 = arith.addf %add3A_109, %get3A_114 : vector<16xf32>
      %get3A_116 = arith.constant 4 : i32
      %get3A_117 = arith.index_cast %get3A_116 : i32 to index
      %get3A_118 = arith.constant 16 : index
      %get3A_119 = tpu.vector_load %arg9[%get3A_117, %get3A_118] {strides = array<i32>} : memref<12x64xf32, #tpu.memory_space<vmem>>, vector<1x16xf32>,
      %get3A_120 = vector.shape_cast %get3A_119 : vector<1x16xf32> to vector<16xf32>
      %add3A_121 = arith.addf %add3A_115, %get3A_120 : vector<16xf32>
      %get3A_122 = arith.constant 5 : i32
      %get3A_123 = arith.index_cast %get3A_122 : i32 to index
      %get3A_124 = arith.constant 16 : index
      %get3A_125 = tpu.vector_load %arg9[%get3A_123, %get3A_124] {strides = array<i32>} : memref<12x64xf32, #tpu.memory_space<vmem>>, vector<1x16xf32>,
      %get3A_126 = vector.shape_cast %get3A_125 : vector<1x16xf32> to vector<16xf32>
      %add3A_127 = arith.addf %add3A_121, %get3A_126 : vector<16xf32>
      %get3A_128 = arith.constant 6 : i32
      %get3A_129 = arith.index_cast %get3A_128 : i32 to index
      %get3A_130 = arith.constant 16 : index
      %get3A_131 = tpu.vector_load %arg9[%get3A_129, %get3A_130] {strides = array<i32>} : memref<12x64xf32, #tpu.memory_space<vmem>>, vector<1x16xf32>,
      %get3A_132 = vector.shape_cast %get3A_131 : vector<1x16xf32> to vector<16xf32>
      %add3A_133 = arith.addf %add3A_127, %get3A_132 : vector<16xf32>
      %get3A_134 = arith.constant 7 : i32
      %get3A_135 = arith.index_cast %get3A_134 : i32 to index
      %get3A_136 = arith.constant 16 : index
      %get3A_137 = tpu.vector_load %arg9[%get3A_135, %get3A_136] {strides = array<i32>} : memref<12x64xf32, #tpu.memory_space<vmem>>, vector<1x16xf32>,
      %get3A_138 = vector.shape_cast %get3A_137 : vector<1x16xf32> to vector<16xf32>
      %add3A_139 = arith.addf %add3A_133, %get3A_138 : vector<16xf32>
      %get3A_140 = arith.constant 8 : i32
      %get3A_141 = arith.index_cast %get3A_140 : i32 to index
      %get3A_142 = arith.constant 16 : index
      %get3A_143 = tpu.vector_load %arg9[%get3A_141, %get3A_142] {strides = array<i32>} : memref<12x64xf32, #tpu.memory_space<vmem>>, vector<1x16xf32>,
      %get3A_144 = vector.shape_cast %get3A_143 : vector<1x16xf32> to vector<16xf32>
      %add3A_145 = arith.addf %add3A_139, %get3A_144 : vector<16xf32>
      %get3A_146 = arith.constant 9 : i32
      %get3A_147 = arith.index_cast %get3A_146 : i32 to index
      %get3A_148 = arith.constant 16 : index
      %get3A_149 = tpu.vector_load %arg9[%get3A_147, %get3A_148] {strides = array<i32>} : memref<12x64xf32, #tpu.memory_space<vmem>>, vector<1x16xf32>,
      %get3A_150 = vector.shape_cast %get3A_149 : vector<1x16xf32> to vector<16xf32>
      %add3A_151 = arith.addf %add3A_145, %get3A_150 : vector<16xf32>
      %get3A_152 = arith.constant 10 : i32
      %get3A_153 = arith.index_cast %get3A_152 : i32 to index
      %get3A_154 = arith.constant 16 : index
      %get3A_155 = tpu.vector_load %arg9[%get3A_153, %get3A_154] {strides = array<i32>} : memref<12x64xf32, #tpu.memory_space<vmem>>, vector<1x16xf32>,
      %get3A_156 = vector.shape_cast %get3A_155 : vector<1x16xf32> to vector<16xf32>
      %add3A_157 = arith.addf %add3A_151, %get3A_156 : vector<16xf32>
      %get3A_158 = arith.constant 11 : i32
      %get3A_159 = arith.index_cast %get3A_158 : i32 to index
      %get3A_160 = arith.constant 16 : index
      %get3A_161 = tpu.vector_load %arg9[%get3A_159, %get3A_160] {strides = array<i32>} : memref<12x64xf32, #tpu.memory_space<vmem>>, vector<1x16xf32>,
      %get3A_162 = vector.shape_cast %get3A_161 : vector<1x16xf32> to vector<16xf32>
      %add3A_163 = arith.addf %add3A_157, %get3A_162 : vector<16xf32>
      %mul3A_164 = arith.constant 5.000000e-03 : f32
      %mul3A_165 = vector.broadcast %mul3A_164 : f32 to vector<16xf32>
      %mul3A_166 = arith.mulf %add3A_163, %mul3A_165 : vector<16xf32>
      %max3A_167 = arith.constant 0.000000e+00 : f32
      %max3A_168 = vector.broadcast %max3A_167 : f32 to vector<16xf32>
      %max3A_169 = arith.maximumf %mul3A_166, %max3A_168 : vector<16xf32>
      %swap3A_170 = arith.constant 16 : index
      %swap3A_171 = tpu.vector_load %arg10[%swap3A_170] {strides = array<i32>} : memref<64xf32, #tpu.memory_space<vmem>>, vector<16xf32>,
      %swap3A_172 = vector.shape_cast %swap3A_171 : vector<16xf32> to vector<16xf32>
      %swap3A_173 = vector.shape_cast %max3A_169 : vector<16xf32> to vector<16xf32>
      tpu.vector_store %arg10[%swap3A_170], %swap3A_173 {strides = array<i32>} : memref<64xf32, #tpu.memory_space<vmem>>, vector<16xf32>,
      %get3A_174 = arith.constant 32 : index
      %get3A_175 = tpu.vector_load %arg7[%get3A_174] {strides = array<i32>} : memref<64xf32, #tpu.memory_space<vmem>>, vector<16xf32>,
      %get3A_176 = vector.shape_cast %get3A_175 : vector<16xf32> to vector<16xf32>
      %get3A_177 = arith.constant 0 : i32
      %get3A_178 = arith.index_cast %get3A_177 : i32 to index
      %get3A_179 = arith.constant 32 : index
      %get3A_180 = tpu.vector_load %arg9[%get3A_178, %get3A_179] {strides = array<i32>} : memref<12x64xf32, #tpu.memory_space<vmem>>, vector<1x16xf32>,
      %get3A_181 = vector.shape_cast %get3A_180 : vector<1x16xf32> to vector<16xf32>
      %add3A_182 = arith.addf %get3A_176, %get3A_181 : vector<16xf32>
      %get3A_183 = arith.constant 1 : i32
      %get3A_184 = arith.index_cast %get3A_183 : i32 to index
      %get3A_185 = arith.constant 32 : index
      %get3A_186 = tpu.vector_load %arg9[%get3A_184, %get3A_185] {strides = array<i32>} : memref<12x64xf32, #tpu.memory_space<vmem>>, vector<1x16xf32>,
      %get3A_187 = vector.shape_cast %get3A_186 : vector<1x16xf32> to vector<16xf32>
      %add3A_188 = arith.addf %add3A_182, %get3A_187 : vector<16xf32>
      %get3A_189 = arith.constant 2 : i32
      %get3A_190 = arith.index_cast %get3A_189 : i32 to index
      %get3A_191 = arith.constant 32 : index
      %get3A_192 = tpu.vector_load %arg9[%get3A_190, %get3A_191] {strides = array<i32>} : memref<12x64xf32, #tpu.memory_space<vmem>>, vector<1x16xf32>,
      %get3A_193 = vector.shape_cast %get3A_192 : vector<1x16xf32> to vector<16xf32>
      %add3A_194 = arith.addf %add3A_188, %get3A_193 : vector<16xf32>
      %get3A_195 = arith.constant 3 : i32
      %get3A_196 = arith.index_cast %get3A_195 : i32 to index
      %get3A_197 = arith.constant 32 : index
      %get3A_198 = tpu.vector_load %arg9[%get3A_196, %get3A_197] {strides = array<i32>} : memref<12x64xf32, #tpu.memory_space<vmem>>, vector<1x16xf32>,
      %get3A_199 = vector.shape_cast %get3A_198 : vector<1x16xf32> to vector<16xf32>
      %add3A_200 = arith.addf %add3A_194, %get3A_199 : vector<16xf32>
      %get3A_201 = arith.constant 4 : i32
      %get3A_202 = arith.index_cast %get3A_201 : i32 to index
      %get3A_203 = arith.constant 32 : index
      %get3A_204 = tpu.vector_load %arg9[%get3A_202, %get3A_203] {strides = array<i32>} : memref<12x64xf32, #tpu.memory_space<vmem>>, vector<1x16xf32>,
      %get3A_205 = vector.shape_cast %get3A_204 : vector<1x16xf32> to vector<16xf32>
      %add3A_206 = arith.addf %add3A_200, %get3A_205 : vector<16xf32>
      %get3A_207 = arith.constant 5 : i32
      %get3A_208 = arith.index_cast %get3A_207 : i32 to index
      %get3A_209 = arith.constant 32 : index
      %get3A_210 = tpu.vector_load %arg9[%get3A_208, %get3A_209] {strides = array<i32>} : memref<12x64xf32, #tpu.memory_space<vmem>>, vector<1x16xf32>,
      %get3A_211 = vector.shape_cast %get3A_210 : vector<1x16xf32> to vector<16xf32>
      %add3A_212 = arith.addf %add3A_206, %get3A_211 : vector<16xf32>
      %get3A_213 = arith.constant 6 : i32
      %get3A_214 = arith.index_cast %get3A_213 : i32 to index
      %get3A_215 = arith.constant 32 : index
      %get3A_216 = tpu.vector_load %arg9[%get3A_214, %get3A_215] {strides = array<i32>} : memref<12x64xf32, #tpu.memory_space<vmem>>, vector<1x16xf32>,
      %get3A_217 = vector.shape_cast %get3A_216 : vector<1x16xf32> to vector<16xf32>
      %add3A_218 = arith.addf %add3A_212, %get3A_217 : vector<16xf32>
      %get3A_219 = arith.constant 7 : i32
      %get3A_220 = arith.index_cast %get3A_219 : i32 to index
      %get3A_221 = arith.constant 32 : index
      %get3A_222 = tpu.vector_load %arg9[%get3A_220, %get3A_221] {strides = array<i32>} : memref<12x64xf32, #tpu.memory_space<vmem>>, vector<1x16xf32>,
      %get3A_223 = vector.shape_cast %get3A_222 : vector<1x16xf32> to vector<16xf32>
      %add3A_224 = arith.addf %add3A_218, %get3A_223 : vector<16xf32>
      %get3A_225 = arith.constant 8 : i32
      %get3A_226 = arith.index_cast %get3A_225 : i32 to index
      %get3A_227 = arith.constant 32 : index
      %get3A_228 = tpu.vector_load %arg9[%get3A_226, %get3A_227] {strides = array<i32>} : memref<12x64xf32, #tpu.memory_space<vmem>>, vector<1x16xf32>,
      %get3A_229 = vector.shape_cast %get3A_228 : vector<1x16xf32> to vector<16xf32>
      %add3A_230 = arith.addf %add3A_224, %get3A_229 : vector<16xf32>
      %get3A_231 = arith.constant 9 : i32
      %get3A_232 = arith.index_cast %get3A_231 : i32 to index
      %get3A_233 = arith.constant 32 : index
      %get3A_234 = tpu.vector_load %arg9[%get3A_232, %get3A_233] {strides = array<i32>} : memref<12x64xf32, #tpu.memory_space<vmem>>, vector<1x16xf32>,
      %get3A_235 = vector.shape_cast %get3A_234 : vector<1x16xf32> to vector<16xf32>
      %add3A_236 = arith.addf %add3A_230, %get3A_235 : vector<16xf32>
      %get3A_237 = arith.constant 10 : i32
      %get3A_238 = arith.index_cast %get3A_237 : i32 to index
      %get3A_239 = arith.constant 32 : index
      %get3A_240 = tpu.vector_load %arg9[%get3A_238, %get3A_239] {strides = array<i32>} : memref<12x64xf32, #tpu.memory_space<vmem>>, vector<1x16xf32>,
      %get3A_241 = vector.shape_cast %get3A_240 : vector<1x16xf32> to vector<16xf32>
      %add3A_242 = arith.addf %add3A_236, %get3A_241 : vector<16xf32>
      %get3A_243 = arith.constant 11 : i32
      %get3A_244 = arith.index_cast %get3A_243 : i32 to index
      %get3A_245 = arith.constant 32 : index
      %get3A_246 = tpu.vector_load %arg9[%get3A_244, %get3A_245] {strides = array<i32>} : memref<12x64xf32, #tpu.memory_space<vmem>>, vector<1x16xf32>,
      %get3A_247 = vector.shape_cast %get3A_246 : vector<1x16xf32> to vector<16xf32>
      %add3A_248 = arith.addf %add3A_242, %get3A_247 : vector<16xf32>
      %mul3A_249 = arith.constant 5.000000e-03 : f32
      %mul3A_250 = vector.broadcast %mul3A_249 : f32 to vector<16xf32>
      %mul3A_251 = arith.mulf %add3A_248, %mul3A_250 : vector<16xf32>
      %max3A_252 = arith.constant 0.000000e+00 : f32
      %max3A_253 = vector.broadcast %max3A_252 : f32 to vector<16xf32>
      %max3A_254 = arith.maximumf %mul3A_251, %max3A_253 : vector<16xf32>
      %swap3A_255 = arith.constant 32 : index
      %swap3A_256 = tpu.vector_load %arg10[%swap3A_255] {strides = array<i32>} : memref<64xf32, #tpu.memory_space<vmem>>, vector<16xf32>,
      %swap3A_257 = vector.shape_cast %swap3A_256 : vector<16xf32> to vector<16xf32>
      %swap3A_258 = vector.shape_cast %max3A_254 : vector<16xf32> to vector<16xf32>
      tpu.vector_store %arg10[%swap3A_255], %swap3A_258 {strides = array<i32>} : memref<64xf32, #tpu.memory_space<vmem>>, vector<16xf32>,
      %get3A_259 = arith.constant 48 : index
      %get3A_260 = tpu.vector_load %arg7[%get3A_259] {strides = array<i32>} : memref<64xf32, #tpu.memory_space<vmem>>, vector<16xf32>,
      %get3A_261 = vector.shape_cast %get3A_260 : vector<16xf32> to vector<16xf32>
      %get3A_262 = arith.constant 0 : i32
      %get3A_263 = arith.index_cast %get3A_262 : i32 to index
      %get3A_264 = arith.constant 48 : index
      %get3A_265 = tpu.vector_load %arg9[%get3A_263, %get3A_264] {strides = array<i32>} : memref<12x64xf32, #tpu.memory_space<vmem>>, vector<1x16xf32>,
      %get3A_266 = vector.shape_cast %get3A_265 : vector<1x16xf32> to vector<16xf32>
      %add3A_267 = arith.addf %get3A_261, %get3A_266 : vector<16xf32>
      %get3A_268 = arith.constant 1 : i32
      %get3A_269 = arith.index_cast %get3A_268 : i32 to index
      %get3A_270 = arith.constant 48 : index
      %get3A_271 = tpu.vector_load %arg9[%get3A_269, %get3A_270] {strides = array<i32>} : memref<12x64xf32, #tpu.memory_space<vmem>>, vector<1x16xf32>,
      %get3A_272 = vector.shape_cast %get3A_271 : vector<1x16xf32> to vector<16xf32>
      %add3A_273 = arith.addf %add3A_267, %get3A_272 : vector<16xf32>
      %get3A_274 = arith.constant 2 : i32
      %get3A_275 = arith.index_cast %get3A_274 : i32 to index
      %get3A_276 = arith.constant 48 : index
      %get3A_277 = tpu.vector_load %arg9[%get3A_275, %get3A_276] {strides = array<i32>} : memref<12x64xf32, #tpu.memory_space<vmem>>, vector<1x16xf32>,
      %get3A_278 = vector.shape_cast %get3A_277 : vector<1x16xf32> to vector<16xf32>
      %add3A_279 = arith.addf %add3A_273, %get3A_278 : vector<16xf32>
      %get3A_280 = arith.constant 3 : i32
      %get3A_281 = arith.index_cast %get3A_280 : i32 to index
      %get3A_282 = arith.constant 48 : index
      %get3A_283 = tpu.vector_load %arg9[%get3A_281, %get3A_282] {strides = array<i32>} : memref<12x64xf32, #tpu.memory_space<vmem>>, vector<1x16xf32>,
      %get3A_284 = vector.shape_cast %get3A_283 : vector<1x16xf32> to vector<16xf32>
      %add3A_285 = arith.addf %add3A_279, %get3A_284 : vector<16xf32>
      %get3A_286 = arith.constant 4 : i32
      %get3A_287 = arith.index_cast %get3A_286 : i32 to index
      %get3A_288 = arith.constant 48 : index
      %get3A_289 = tpu.vector_load %arg9[%get3A_287, %get3A_288] {strides = array<i32>} : memref<12x64xf32, #tpu.memory_space<vmem>>, vector<1x16xf32>,
      %get3A_290 = vector.shape_cast %get3A_289 : vector<1x16xf32> to vector<16xf32>
      %add3A_291 = arith.addf %add3A_285, %get3A_290 : vector<16xf32>
      %get3A_292 = arith.constant 5 : i32
      %get3A_293 = arith.index_cast %get3A_292 : i32 to index
      %get3A_294 = arith.constant 48 : index
      %get3A_295 = tpu.vector_load %arg9[%get3A_293, %get3A_294] {strides = array<i32>} : memref<12x64xf32, #tpu.memory_space<vmem>>, vector<1x16xf32>,
      %get3A_296 = vector.shape_cast %get3A_295 : vector<1x16xf32> to vector<16xf32>
      %add3A_297 = arith.addf %add3A_291, %get3A_296 : vector<16xf32>
      %get3A_298 = arith.constant 6 : i32
      %get3A_299 = arith.index_cast %get3A_298 : i32 to index
      %get3A_300 = arith.constant 48 : index
      %get3A_301 = tpu.vector_load %arg9[%get3A_299, %get3A_300] {strides = array<i32>} : memref<12x64xf32, #tpu.memory_space<vmem>>, vector<1x16xf32>,
      %get3A_302 = vector.shape_cast %get3A_301 : vector<1x16xf32> to vector<16xf32>
      %add3A_303 = arith.addf %add3A_297, %get3A_302 : vector<16xf32>
      %get3A_304 = arith.constant 7 : i32
      %get3A_305 = arith.index_cast %get3A_304 : i32 to index
      %get3A_306 = arith.constant 48 : index
      %get3A_307 = tpu.vector_load %arg9[%get3A_305, %get3A_306] {strides = array<i32>} : memref<12x64xf32, #tpu.memory_space<vmem>>, vector<1x16xf32>,
      %get3A_308 = vector.shape_cast %get3A_307 : vector<1x16xf32> to vector<16xf32>
      %add3A_309 = arith.addf %add3A_303, %get3A_308 : vector<16xf32>
      %get3A_310 = arith.constant 8 : i32
      %get3A_311 = arith.index_cast %get3A_310 : i32 to index
      %get3A_312 = arith.constant 48 : index
      %get3A_313 = tpu.vector_load %arg9[%get3A_311, %get3A_312] {strides = array<i32>} : memref<12x64xf32, #tpu.memory_space<vmem>>, vector<1x16xf32>,
      %get3A_314 = vector.shape_cast %get3A_313 : vector<1x16xf32> to vector<16xf32>
      %add3A_315 = arith.addf %add3A_309, %get3A_314 : vector<16xf32>
      %get3A_316 = arith.constant 9 : i32
      %get3A_317 = arith.index_cast %get3A_316 : i32 to index
      %get3A_318 = arith.constant 48 : index
      %get3A_319 = tpu.vector_load %arg9[%get3A_317, %get3A_318] {strides = array<i32>} : memref<12x64xf32, #tpu.memory_space<vmem>>, vector<1x16xf32>,
      %get3A_320 = vector.shape_cast %get3A_319 : vector<1x16xf32> to vector<16xf32>
      %add3A_321 = arith.addf %add3A_315, %get3A_320 : vector<16xf32>
      %get3A_322 = arith.constant 10 : i32
      %get3A_323 = arith.index_cast %get3A_322 : i32 to index
      %get3A_324 = arith.constant 48 : index
      %get3A_325 = tpu.vector_load %arg9[%get3A_323, %get3A_324] {strides = array<i32>} : memref<12x64xf32, #tpu.memory_space<vmem>>, vector<1x16xf32>,
      %get3A_326 = vector.shape_cast %get3A_325 : vector<1x16xf32> to vector<16xf32>
      %add3A_327 = arith.addf %add3A_321, %get3A_326 : vector<16xf32>
      %get3A_328 = arith.constant 11 : i32
      %get3A_329 = arith.index_cast %get3A_328 : i32 to index
      %get3A_330 = arith.constant 48 : index
      %get3A_331 = tpu.vector_load %arg9[%get3A_329, %get3A_330] {strides = array<i32>} : memref<12x64xf32, #tpu.memory_space<vmem>>, vector<1x16xf32>,
      %get3A_332 = vector.shape_cast %get3A_331 : vector<1x16xf32> to vector<16xf32>
      %add3A_333 = arith.addf %add3A_327, %get3A_332 : vector<16xf32>
      %mul3A_334 = arith.constant 5.000000e-03 : f32
      %mul3A_335 = vector.broadcast %mul3A_334 : f32 to vector<16xf32>
      %mul3A_336 = arith.mulf %add3A_333, %mul3A_335 : vector<16xf32>
      %max3A_337 = arith.constant 0.000000e+00 : f32
      %max3A_338 = vector.broadcast %max3A_337 : f32 to vector<16xf32>
      %max3A_339 = arith.maximumf %mul3A_336, %max3A_338 : vector<16xf32>
      %swap3A_340 = arith.constant 48 : index
      %swap3A_341 = tpu.vector_load %arg10[%swap3A_340] {strides = array<i32>} : memref<64xf32, #tpu.memory_space<vmem>>, vector<16xf32>,
      %swap3A_342 = vector.shape_cast %swap3A_341 : vector<16xf32> to vector<16xf32>
      %swap3A_343 = vector.shape_cast %max3A_339 : vector<16xf32> to vector<16xf32>
      tpu.vector_store %arg10[%swap3A_340], %swap3A_343 {strides = array<i32>} : memref<64xf32, #tpu.memory_space<vmem>>, vector<16xf32>,
      "tpu.region"() ({
        %run_scoped3A = tpu.sem_alloc : memref<!tpu.dma_semaphore, #tpu.memory_space<semaphore_mem>>
        tpu.enqueue_dma source(%arg10 : memref<64xf32, #tpu.memory_space<vmem>>) target(%arg4 : memref<64xf32, #tpu.memory_space<hbm>>) target_semaphore(%run_scoped3A : memref<!tpu.dma_semaphore, #tpu.memory_space<semaphore_mem>>)
        tpu.wait_dma2 semaphore(%run_scoped3A : memref<!tpu.dma_semaphore, #tpu.memory_space<semaphore_mem>>) src(%arg10 : memref<64xf32, #tpu.memory_space<vmem>>) dst(%arg4 : memref<64xf32, #tpu.memory_space<hbm>>)
        tpu.yield
      }) : () -> ()
    } else {
    }
    return
  }
}

</mosaic_0001>

<sc_bundles>
// kernel: kernel.3.cloned.1.call-start
scs
__scs_entry_jumppad:
0x0: {  	(pc) =	sbr.rel $0x88, $3  }
0x1: {  	(tag) =	ssettag $0x0;
	lr =	simm.s32 $0x1  }
0x2: {  	[smem:$0x3F9F] =	sst lr;
	_ =	strace $0xD0000000  }
0x3: {  	_ = 	snop  }
0x4: {  	_ = 	snop  }
0x5: {  	_ = 	snop  }
0x6: {  	_ = 	snop  }
0x7: {  	_ = 	snop  }
__scs_overlays_trampoline_lowered:
0x8: {  	[smem:$0x3FAE] =	sst s0  }
0x9: {  	[smem:$0x3FAF] =	sst s1  }
0xa: {  	[smem:$0x3FB0] =	sst s2  }
0xb: {  	[smem:$0x3FB1] =	sst s3  }
0xc: {  	[smem:$0x3FB2] =	sst s4  }
0xd: {  	[smem:$0x3FB3] =	sst s5  }
0xe: {  	[smem:$0x3FB4] =	sst s6  }
0xf: {  	[smem:$0x3FB5] =	sst s7  }
0x10: {  	[smem:$0x3FB6] =	sst s8  }
0x11: {  	[smem:$0x3FB7] =	sst s9;
	s0 =	simm.s32 @!p0 $0x0  }
0x12: {  	s1 =	sld [smem:$0x3F9D];
	s0 =	simm.s32 @p0 $0x1  }
0x13: {  	[smem:$0x3FB8] =	sst s0;
	s0 =	simm.s32 @!p1 $0x0  }
0x14: {  	s2 =	sld [smem:$0x3F9C];
	s0 =	simm.s32 @p1 $0x1  }
0x15: {  	[smem:$0x3FB9] =	sst s0;
	s0 =	simm.s32 @!p2 $0x0  }
0x16: {  	s3 =	sld [smem:$0x3FDB];
	s0 =	simm.s32 @p2 $0x1  }
0x17: {  	s4 =	simm.s32 $0x1BF5;
	[smem:$0x3FBB] =	sst s0  }
0x18: {  	s0 =	sld [smem:$0x3F9E];
	_ =	swait.ge [sflag:s4], $0x0  }
0x19: {  	s7 =	sld [smem:$0x3F9F]  }
0x1a: {  	s8 =	sadd.s32 $0xFFFFE003, lr  }
0x1b: {  	s9 =	sadd.s32 $0xFFFFFEF7, lr;
	s5 =	simm.s32 $0xFFFFFFFF;
	p2 =	slt.u32 s8, $0xFFFFF086  }
0x1c: {  	p1 =	slt.u32 s9, $0xF7A;
	s5 =	simm.s32 @!p2 $0x0  }
0x1d: {  	s5 =	simm.s32 @p1 $0x1;
	p0 =	seq.s32 s7, s2  }
0x1e: {  	s7 =	smul.u32 @!p0 $0xF7A, s2;
	p2 =	seq.s32 @!p0 s5, $0x0  }
0x1f: {  	s9 =	smul.u32 $0xF7A, s1;
	s8 =	simm.s32 @!p0 $0x1BF5;
	p2 =	por !p2, p0  }
0x20: {  	[sflag:s8] =	ssyncset.s32 @!p0 $0xFFFFF086;
	s6 =	sadd.s32 @!p0 s3, s7;
	s7 =	simm.s32 @!p0 $0x108  }
0x21: {  	s3 =	sadd.s32 s3, s9;
	s6 =	sadd.s32 @!p0 $0x88, s6;
	s7 =	simm.s32 @p2 $0x1082  }
0x22: {  	[simem:s7], [sflag:s8] =	dma.local @!p0 [hbm:s6], $0xF7A  }
0x23: {  	s9 =	sor.u32 $0xD0000000, s2;
	s6 =	simm.s32 $0x108;
	_ =	swait.ge @!p0 [sflag:s8], $0x0  }
0x24: {  	s3 =	sadd.s32 $0x88, s3;
	s6 =	simm.s32 @!p1 $0x1082;
	[sflag:s4] =	ssyncset.s32 $0xFFFFF086  }
0x25: {  	[simem:s6], [sflag:s4] =	dma.local [hbm:s3], $0xF7A  }
0x26: {  	[smem:$0x3F9F] =	sst s1;
	(tag) =	ssettag s2;
	_ =	strace s9  }
0x27: {  	s1 =	sld [smem:$0x3FAF]  }
0x28: {  	s2 =	sld [smem:$0x3FB0]  }
0x29: {  	s4 =	sld [smem:$0x3FB2]  }
0x2a: {  	p0 =	seq.s32 s5, $0x0;
	s5 =	sld [smem:$0x3FB3]  }
0x2b: {  	s6 =	sld [smem:$0x3FB4]  }
0x2c: {  	s7 =	sld [smem:$0x3FB5]  }
0x2d: {  	s3 =	simm.s32 $0x108;
	s8 =	sld [smem:$0x3FB6]  }
0x2e: {  	s3 =	simm.s32 @!p0 $0x1082;
	s9 =	sld [smem:$0x3FB7]  }
0x2f: {  	lr =	sadd.s32 s0, s3;
	s0 =	sld [smem:$0x3FAE]  }
0x30: {  	s3 =	sld [smem:$0x3FB1]  }
0x31: {  	[smem:$0x3FBA] =	sst s10  }
0x32: {  	s10 =	sld [smem:$0x3FB8];
	_ =	sdelay $0x3  }
0x33: {  	p0 =	seq.s32 s10, $0x1;
	s10 =	sld [smem:$0x3FBA];
	_ =	sdelay $0x3  }
0x34: {  	[smem:$0x3FBA] =	sst s10  }
0x35: {  	s10 =	sld [smem:$0x3FB9];
	_ =	sdelay $0x3  }
0x36: {  	p1 =	seq.s32 s10, $0x1;
	s10 =	sld [smem:$0x3FBA];
	_ =	sdelay $0x3  }
0x37: {  	[smem:$0x3FBA] =	sst s10  }
0x38: {  	s10 =	sld [smem:$0x3FBB]  }
0x39: {  	_ = 	snop;
	(pc) =	sbr.ind lr, $3  }
0x3a: {  	_ = 	snop  }
0x3b: {  	_ = 	snop  }
0x3c: {  	p2 =	seq.s32 s10, $0x1;
	s10 =	sld [smem:$0x3FBA]  }
0x3d: {  	_ =	shalt  }
0x3e: {  	_ =	shalt  }
0x3f: {  	_ =	shalt  }
0x40: {  	_ =	shalt  }
0x41: {  	_ =	shalt  }
0x42: {  	_ =	shalt  }
0x43: {  	_ =	shalt  }
0x44: {  	_ =	shalt  }
0x45: {  	_ =	shalt  }
0x46: {  	_ =	shalt  }
0x47: {  	_ =	shalt  }
0x48: {  	_ =	shalt  }
0x49: {  	_ =	shalt  }
0x4a: {  	_ =	shalt  }
0x4b: {  	_ =	shalt  }
0x4c: {  	_ =	shalt  }
0x4d: {  	_ =	shalt  }
0x4e: {  	_ =	shalt  }
0x4f: {  	_ =	shalt  }
0x50: {  	_ =	shalt  }
0x51: {  	_ =	shalt  }
0x52: {  	_ =	shalt  }
0x53: {  	_ =	shalt  }
0x54: {  	_ =	shalt  }
0x55: {  	_ =	shalt  }
0x56: {  	_ =	shalt  }
0x57: {  	_ =	shalt  }
0x58: {  	_ =	shalt  }
0x59: {  	_ =	shalt  }
0x5a: {  	_ =	shalt  }
0x5b: {  	_ =	shalt  }
0x5c: {  	_ =	shalt  }
0x5d: {  	_ =	shalt  }
0x5e: {  	_ =	shalt  }
0x5f: {  	_ =	shalt  }
0x60: {  	_ =	shalt  }
0x61: {  	_ =	shalt  }
0x62: {  	_ =	shalt  }
0x63: {  	_ =	shalt  }
0x64: {  	_ =	shalt  }
0x65: {  	_ =	shalt  }
0x66: {  	_ =	shalt  }
0x67: {  	_ =	shalt  }
0x68: {  	_ =	shalt  }
0x69: {  	_ =	shalt  }
0x6a: {  	_ =	shalt  }
0x6b: {  	_ =	shalt  }
0x6c: {  	_ =	shalt  }
0x6d: {  	_ =	shalt  }
0x6e: {  	_ =	shalt  }
0x6f: {  	_ =	shalt  }
0x70: {  	_ =	shalt  }
0x71: {  	_ =	shalt  }
0x72: {  	_ =	shalt  }
0x73: {  	_ =	shalt  }
0x74: {  	_ =	shalt  }
0x75: {  	_ =	shalt  }
0x76: {  	_ =	shalt  }
0x77: {  	_ =	shalt  }
0x78: {  	_ =	shalt  }
0x79: {  	_ =	shalt  }
0x7a: {  	_ =	shalt  }
0x7b: {  	_ =	shalt  }
0x7c: {  	_ =	shalt  }
0x7d: {  	_ =	shalt  }
0x7e: {  	_ =	shalt  }
0x7f: {  	_ =	shalt  }
0x80: {  	_ =	shalt  }
0x81: {  	_ =	shalt  }
0x82: {  	_ =	shalt  }
0x83: {  	_ =	shalt  }
0x84: {  	_ =	shalt  }
0x85: {  	_ =	shalt  }
0x86: {  	_ =	shalt  }
0x87: {  	_ =	shalt  }
.Lfunc_end0:
.L_simem_size_0:
called_computation_lowered:
.L_overlay_start_0:
0x88: {  	s0 =	sld [smem:$0x3FD9]  }
0x89: {  	s1 =	sld [smem:$0x3FFE];
	_ =	sdelay $0x3  }
0x8a: {  	s0 =	sadd.s32 s1, s0  }
0x8b: {  	[smem:$0x3FC6] =	sst s0  }
0x8c: {  	_ = 	snop  }
0x8d: {  	s0 =	sld [smem:$0x3FC9]  }
0x8e: {  	s16 =	sld [smem:$0x3FD0];
	(tm) =	ssettm $0x1  }
0x8f: {  	s2 =	sld [smem:$0x3FFB];
	_ =	sdelay $0x3  }
0x90: {  	_ =	strace s2  }
0x91: {  	s2 =	sld [smem:$0x3FFC];
	_ =	sdelay $0x3  }
0x92: {  	_ =	strace s2  }
0x93: {  	s2 =	sld [smem:$0x3FFD];
	_ =	sdelay $0x3  }
0x94: {  	_ =	strace s2  }
0x95: {  	_ =	strace $0x8FFFFFFF  }
0x96: {  	s17 =	sld [smem:$0x3FDB];
	_ =	sdelay $0x1  }
0x97: {  	s3 =	simm.s32 $_scs_section_size  }
0x98: {  	s4 =	simm.s32 $_size__tile_overlayer_lowered;
	s5 =	simm.s32 $_tile_overlayer_lowered  }
0x99: {  	s20 =	simm.s32 $0x1BFF;
	s19 =	sshll.u32 s5, $0x1;
	s2 =	sadd.s32 s3, s17  }
0x9a: {  	s6 =	simm.s32 $0x0;
	s18 =	sshll.u32 s4, $0x1;
	s4 =	sadd.s32 s19, s2  }
0x9b: {  	[timem:s6], [sflag:s20] =	dma.local [hbm:s4], s18  }
0x9c: {  	_ =	swait.ge [sflag:s20], s18  }
0x9d: {  	s3 =	ssub.s32 $0x0, s18;
	[sflag:s20] =	ssyncset.done $0x0  }
0x9e: {  	[sflag:s20] =	ssyncadd.s32 s3;
	_ =	sdelay $0x1  }
0x9f: {  	s21 =	simm.s32 $0x1B8B  }
0xa0: {  	_ =	swait.ge [sflag:s21], $0x1  }
0xa1: {  	[sflag:s21] =	ssyncset.done $0x0  }
0xa2: {  	s23 =	simm.s32 $0x1B8E;
	s22 =	sld [smem:$0x3FFE];
	[sflag:s21] =	ssyncadd.s32 $0xFFFFFFFF  }
0xa3: {  	s24 =	simm.s32 $execute0_lowered;
	[smem:$0x3FD2] =	sst s23  }
0xa4: {  	s4 =	sshll.u32 s24, $0x1;
	_ =	strace $0x80000046;
	[dreg:$0x1] =	wrdreg $0xFFFFFFFF  }
0xa5: {  	s25 =	simm.s32 $_size_execute0_lowered;
	s2 =	sadd.s32 s2, s4;
	[dreg:$0x0] =	wrdreg $0x0  }
0xa6: {  	s4 =	sshll.u32 s25, $0x1;
	[dreg:$0x2] =	wrdreg s2  }
0xa7: {  	[dreg:$0x3] =	wrdreg s4  }
0xa8: {  	[dreg:$0x4] =	wrdreg $0xC0  }
0xa9: {  	_ =	task [dreg:s6], $0x5FFFF  }
0xaa: {  	[dreg:$0x1] =	wrdreg $0xFFFFFFFF  }
0xab: {  	[dreg:$0x0] =	wrdreg $0x60  }
0xac: {  	[dreg:$0x2] =	wrdreg s0  }
0xad: {  	[dreg:$0x3] =	wrdreg s22  }
0xae: {  	[dreg:$0x4] =	wrdreg s16  }
0xaf: {  	[dreg:$0x5] =	wrdreg $0x4500  }
0xb0: {  	[dreg:$0x6] =	wrdreg $0x9  }
0xb1: {  	_ =	task.clear_ibuf [dreg:s6], $0x7FFFF;
	_ =	strace $0x90000046  }
0xb2: {  	s26 =	simm.s32 $0x9;
	_ =	strace $0x80000048  }
0xb3: {  	_ =	swait.ge [sflag:s26], $0x1  }
0xb4: {  	[sflag:s26] =	ssyncadd.s32 $0xFFFFFFFF  }
0xb5: {  	_ =	strace $0x90000048  }
0xb6: {  	_ =	sfence  }
0xb7: {  	s28 =	sld [smem:$0x0];
	_ =	sdelay $0x1  }
0xb8: {  	s29 =	srdreg.scid  }
0xb9: {  	s30 =	sshll.u32 s29, $0xD;
	s31 =	sshrl.u32 s29, $0x2  }
0xba: {  	s1 =	sand.u32 $0x1, s29;
	s2 =	sand.u32 $0x4000, s30;
	s0 =	sadd.s32 s31, s28  }
0xbb: {  	s1 =	sor.u32 s2, s1;
	s0 =	sshll.u32 s0, $0x11  }
0xbc: {  	s0 =	sor.u32 s0, s1  }
0xbd: {  	s0 =	sadd.s32 $0x8F2B, s0  }
0xbe: {  	[sflag:s0] =	ssyncadd.remote.s32 $0x1  }
0xbf: {  	_ =	sfence.sel $0xFFFF  }
0xc0: {  	[dreg:$0x0] =	wrdreg $0xFFFFFFFF;
	(pc) =	sbr.abs _section_cstart, $3  }
0xc1: {  	[dreg:$0x1] =	wrdreg $0xFFFFFFFF  }
0xc2: {  	_ =	task.clear_ibuf [dreg:s6], $0x2FFFF;
	_ =	strace $0x9FFFFFFF  }
0xc3: {  	(tm) =	ssettm $0x7FFFFFFF  }
tec
execute0_lowered:
.L_overlay_start_1:
0x0: {  	(tag) =	ssettag $0x1  }
0x1: {  	s1 =	stileid.u32  }
0x2: {  	s6 =	rddreg [dreg:$0x0];
	p0 =	sgt.u32 s1, $0xC  }
.Ltmp0:
0x3: {  	s4 =	rddreg [dreg:$0x1];
	(pc) =	sbr.rel @p0 .LBB2_6-.Ltmp0, $4  }
0x4: {  	s2 =	rddreg [dreg:$0x2]  }
0x5: {  	s3 =	rddreg [dreg:$0x3];
	s5 =	simm.s32 $0x0  }
0x6: {  	[smem:$0x7FF] =	sst s5  }
0x7: {  	s0 =	rddreg [dreg:$0x4];
	_ =	strace $0x80000047  }
0x8: {  	s7 =	sshll.u32 s1, $0x4  }
0x9: {  	s7 =	smin.u32 s7, $0xB8  }
0xa: {  	s7 =	sshrl.u32 s7, $0x3  }
0xb: {  	s29 =	simm.s32 $0x2;
	s6 =	sadd.s32 s6, s7  }
0xc: {  	[tilespmem:s5], [sflag:$0x2] =	stream.linear.gather [hbm4b:s6+s5], $0x10, $0x38;
	[tilespmem:$0x7C0] =	vst v63  }
0xd: {  	s4 =	sadd.s32 $0x400, s4;
	_ =	swait.ge [sflag:s29], $0x10  }
0xe: {  	s30 =	simm.s32 $0x10;
	p0 =	seq.s32 s1, $0xC;
	[sflag:s29] =	ssyncset.done $0x0  }
.Ltmp1:
0xf: {  	s31 =	simm.s32 $0x1;
	[sflag:s29] =	ssyncadd.s32 $0xFFFFFFF0;
	(pc) =	sbr.rel @!p0 .LBB2_2-.Ltmp1, $4  }
0x10: {  	[tilespmem:s30], [sflag:$0x1] =	stream.indirect.gather [hbm4b:s4+s30], $0x40, s5, s30, $0xb8;
	[tilespmem:$0x7C0] =	vst v63  }
0x11: {  	_ =	swait.ge [sflag:s31], $0x400  }
0x12: {  	[sflag:s31] =	ssyncset.done $0x0  }
0x13: {  	[sflag:s31] =	ssyncadd.s32 $0xFFFFFC00  }
0x14: {  	v0 =	vld [tilespmem:$0x210]  }
0x15: {  	v1 =	vld [tilespmem:$0x250]  }
0x16: {  	v2 =	vld [tilespmem:$0x290]  }
0x17: {  	v3 =	vld [tilespmem:$0x2D0]  }
0x18: {  	v4 =	vld [tilespmem:$0x310]  }
0x19: {  	v5 =	vld [tilespmem:$0x350]  }
0x1a: {  	v6 =	vld [tilespmem:$0x390]  }
0x1b: {  	v7 =	vld [tilespmem:$0x3D0]  }
0x1c: {  	v8 =	vld [tilespmem:$0x220]  }
0x1d: {  	v9 =	vld [tilespmem:$0x260]  }
0x1e: {  	v10 =	vld [tilespmem:$0x2A0]  }
0x1f: {  	v11 =	vld [tilespmem:$0x2E0]  }
0x20: {  	v12 =	vld [tilespmem:$0x320]  }
0x21: {  	v13 =	vld [tilespmem:$0x360]  }
0x22: {  	v14 =	vld [tilespmem:$0x3A0]  }
0x23: {  	v15 =	vld [tilespmem:$0x3E0]  }
0x24: {  	v16 =	vld [tilespmem:$0x230]  }
0x25: {  	v17 =	vld [tilespmem:$0x270]  }
0x26: {  	v18 =	vld [tilespmem:$0x240]  }
0x27: {  	v19 =	vld [tilespmem:$0x280]  }
0x28: {  	v20 =	vld [tilespmem:$0x2B0]  }
0x29: {  	v49 =	vld [tilespmem:$0x2C0];
	v0 =	vadd.f32 v1, v0  }
0x2a: {  	v50 =	vld [tilespmem:$0x2F0];
	v8 =	vadd.f32 v9, v8  }
0x2b: {  	v52 =	vld [tilespmem:$0x300];
	v51 =	vadd.f32 v17, v16;
	v0 =	vadd.f32 v2, v0  }
0x2c: {  	v54 =	vld [tilespmem:$0x330];
	v53 =	vadd.f32 v19, v18;
	v8 =	vadd.f32 v10, v8  }
0x2d: {  	v55 =	vld [tilespmem:$0x340];
	v2 =	vadd.f32 v20, v51;
	v0 =	vadd.f32 v3, v0  }
0x2e: {  	v56 =	vld [tilespmem:$0x370];
	v1 =	vadd.f32 v49, v53;
	v8 =	vadd.f32 v11, v8  }
0x2f: {  	v57 =	vld [tilespmem:$0x380];
	v2 =	vadd.f32 v50, v2;
	v0 =	vadd.f32 v4, v0  }
0x30: {  	v58 =	vld [tilespmem:$0x3B0];
	v1 =	vadd.f32 v52, v1;
	v8 =	vadd.f32 v12, v8  }
0x31: {  	v59 =	vld [tilespmem:$0x3C0];
	v2 =	vadd.f32 v54, v2;
	v0 =	vadd.f32 v5, v0  }
0x32: {  	v60 =	vld [tilespmem:$0x3F0];
	v1 =	vadd.f32 v55, v1;
	v8 =	vadd.f32 v13, v8  }
0x33: {  	v61 =	vld [tilespmem:$0x400];
	v2 =	vadd.f32 v56, v2;
	v0 =	vadd.f32 v6, v0  }
0x34: {  	v1 =	vadd.f32 v57, v1;
	v8 =	vadd.f32 v14, v8  }
0x35: {  	v2 =	vadd.f32 v58, v2;
	v0 =	vadd.f32 v7, v0  }
.Ltmp2:
0x36: {  	v1 =	vadd.f32 v59, v1;
	v62 =	vadd.f32 v15, v8;
	(pc) =	sbr.rel .LBB2_5-.Ltmp2, $4  }
0x37: {  	v63 =	vadd.f32 v60, v2;
	[tilespmem:$0x410] =	vst v0  }
0x38: {  	v1 =	vadd.f32 v61, v1;
	[tilespmem:$0x420] =	vst v62  }
0x39: {  	[tilespmem:$0x430] =	vst v63  }
0x3a: {  	[tilespmem:$0x440] =	vst v1  }
.LBB2_2:
0x3b: {  	v0 =	vld [tilespmem:$0x10]  }
0x3c: {  	v1 =	vld [tilespmem:$0x50]  }
0x3d: {  	v2 =	vld [tilespmem:$0x90]  }
0x3e: {  	v3 =	vld [tilespmem:$0xD0]  }
0x3f: {  	v4 =	vld [tilespmem:$0x110]  }
0x40: {  	v5 =	vld [tilespmem:$0x150]  }
0x41: {  	v6 =	vld [tilespmem:$0x190]  }
0x42: {  	v7 =	vld [tilespmem:$0x1D0]  }
0x43: {  	v8 =	vld [tilespmem:$0x210]  }
0x44: {  	v9 =	vld [tilespmem:$0x250]  }
0x45: {  	v10 =	vld [tilespmem:$0x290]  }
0x46: {  	v11 =	vld [tilespmem:$0x2D0]  }
0x47: {  	v12 =	vld [tilespmem:$0x310]  }
0x48: {  	v13 =	vld [tilespmem:$0x350]  }
0x49: {  	v14 =	vld [tilespmem:$0x390]  }
0x4a: {  	v15 =	vld [tilespmem:$0x3D0]  }
0x4b: {  	v16 =	vld [tilespmem:$0x20]  }
0x4c: {  	v17 =	vld [tilespmem:$0x60]  }
0x4d: {  	v18 =	vld [tilespmem:$0xA0]  }
0x4e: {  	v19 =	vld [tilespmem:$0xE0]  }
0x4f: {  	v20 =	vld [tilespmem:$0x120]  }
0x50: {  	v21 =	vld [tilespmem:$0x160]  }
0x51: {  	v22 =	vld [tilespmem:$0x1A0]  }
0x52: {  	v23 =	vld [tilespmem:$0x1E0]  }
0x53: {  	v24 =	vld [tilespmem:$0x220]  }
0x54: {  	v25 =	vld [tilespmem:$0x260]  }
0x55: {  	v26 =	vld [tilespmem:$0x2A0]  }
0x56: {  	v27 =	vld [tilespmem:$0x2E0]  }
0x57: {  	v28 =	vld [tilespmem:$0x320]  }
0x58: {  	v29 =	vld [tilespmem:$0x360]  }
0x59: {  	v30 =	vld [tilespmem:$0x3A0]  }
0x5a: {  	v31 =	vld [tilespmem:$0x3E0]  }
0x5b: {  	v32 =	vld [tilespmem:$0x30]  }
0x5c: {  	v33 =	vld [tilespmem:$0x70]  }
0x5d: {  	v34 =	vld [tilespmem:$0x40]  }
0x5e: {  	v35 =	vld [tilespmem:$0x80]  }
0x5f: {  	v36 =	vld [tilespmem:$0xB0]  }
0x60: {  	v59 =	vld [tilespmem:$0xC0];
	v0 =	vadd.f32 v1, v0  }
0x61: {  	v60 =	vld [tilespmem:$0xF0];
	v16 =	vadd.f32 v17, v16  }
0x62: {  	v62 =	vld [tilespmem:$0x100];
	v61 =	vadd.f32 v33, v32;
	v0 =	vadd.f32 v2, v0  }
0x63: {  	v37 =	vld [tilespmem:$0x130];
	v63 =	vadd.f32 v35, v34;
	v16 =	vadd.f32 v18, v16  }
0x64: {  	v38 =	vld [tilespmem:$0x140];
	v2 =	vadd.f32 v36, v61;
	v0 =	vadd.f32 v3, v0  }
0x65: {  	v39 =	vld [tilespmem:$0x170];
	v1 =	vadd.f32 v59, v63;
	v16 =	vadd.f32 v19, v16  }
0x66: {  	v40 =	vld [tilespmem:$0x180];
	v2 =	vadd.f32 v60, v2;
	v0 =	vadd.f32 v4, v0  }
0x67: {  	v41 =	vld [tilespmem:$0x1B0];
	v1 =	vadd.f32 v62, v1;
	v16 =	vadd.f32 v20, v16  }
0x68: {  	v42 =	vld [tilespmem:$0x1C0];
	v2 =	vadd.f32 v37, v2;
	v0 =	vadd.f32 v5, v0  }
0x69: {  	v43 =	vld [tilespmem:$0x1F0];
	v1 =	vadd.f32 v38, v1;
	v16 =	vadd.f32 v21, v16  }
0x6a: {  	v44 =	vld [tilespmem:$0x200];
	v2 =	vadd.f32 v39, v2;
	v0 =	vadd.f32 v6, v0  }
0x6b: {  	v45 =	vld [tilespmem:$0x230];
	v1 =	vadd.f32 v40, v1;
	v16 =	vadd.f32 v22, v16  }
0x6c: {  	v46 =	vld [tilespmem:$0x240];
	v2 =	vadd.f32 v41, v2;
	v0 =	vadd.f32 v7, v0  }
0x6d: {  	v47 =	vld [tilespmem:$0x270];
	v1 =	vadd.f32 v42, v1;
	v16 =	vadd.f32 v23, v16  }
0x6e: {  	v48 =	vld [tilespmem:$0x280];
	v2 =	vadd.f32 v43, v2;
	v0 =	vadd.f32 v8, v0  }
0x6f: {  	v50 =	vld [tilespmem:$0x2B0];
	v1 =	vadd.f32 v44, v1;
	v49 =	vadd.f32 v24, v16  }
0x70: {  	v51 =	vld [tilespmem:$0x2C0];
	v2 =	vadd.f32 v45, v2;
	v0 =	vadd.f32 v9, v0  }
0x71: {  	v52 =	vld [tilespmem:$0x2F0];
	v1 =	vadd.f32 v46, v1;
	v8 =	vadd.f32 v25, v49  }
0x72: {  	v53 =	vld [tilespmem:$0x300];
	v2 =	vadd.f32 v47, v2;
	v0 =	vadd.f32 v10, v0  }
0x73: {  	v54 =	vld [tilespmem:$0x330];
	v1 =	vadd.f32 v48, v1;
	v8 =	vadd.f32 v26, v8  }
0x74: {  	v55 =	vld [tilespmem:$0x340];
	v2 =	vadd.f32 v50, v2;
	v0 =	vadd.f32 v11, v0  }
0x75: {  	v56 =	vld [tilespmem:$0x370];
	v1 =	vadd.f32 v51, v1;
	v8 =	vadd.f32 v27, v8  }
0x76: {  	v57 =	vld [tilespmem:$0x380];
	v2 =	vadd.f32 v52, v2;
	v0 =	vadd.f32 v12, v0  }
0x77: {  	v58 =	vld [tilespmem:$0x3B0];
	v1 =	vadd.f32 v53, v1;
	v8 =	vadd.f32 v28, v8  }
0x78: {  	v59 =	vld [tilespmem:$0x3C0];
	v2 =	vadd.f32 v54, v2;
	v0 =	vadd.f32 v13, v0  }
0x79: {  	v60 =	vld [tilespmem:$0x3F0];
	v1 =	vadd.f32 v55, v1;
	v8 =	vadd.f32 v29, v8  }
0x7a: {  	v61 =	vld [tilespmem:$0x400];
	v2 =	vadd.f32 v56, v2;
	v0 =	vadd.f32 v14, v0  }
0x7b: {  	v1 =	vadd.f32 v57, v1;
	v8 =	vadd.f32 v30, v8  }
0x7c: {  	p0 =	seq.s32 s1, $0x0;
	v2 =	vadd.f32 v58, v2;
	v0 =	vadd.f32 v15, v0  }
.Ltmp3:
0x7d: {  	v1 =	vadd.f32 v59, v1;
	v62 =	vadd.f32 v31, v8;
	(pc) =	sbr.rel @p0 .LBB2_3-.Ltmp3, $4  }
0x7e: {  	v63 =	vadd.f32 v60, v2;
	[tilespmem:$0x410] =	vst v0  }
0x7f: {  	v1 =	vadd.f32 v61, v1;
	[tilespmem:$0x420] =	vst v62  }
0x80: {  	[tilespmem:$0x430] =	vst v63  }
0x81: {  	[tilespmem:$0x440] =	vst v1  }
.LBB2_5:
0x82: {  	s2 =	sshll.u32 s1, $0x6  }
0x83: {  	s2 =	sadd.s32 s2, s3  }
0x84: {  	s30 =	simm.s32 $0x410;
	s31 =	simm.s32 $0x2;
	s2 =	sadd.s32 $0xFFFFFFC0, s2  }
0x85: {  	[spmem:s2] =	stream.linear.scatter [tilespmem:s30], [sflag:$0x2], $0x40, $0x38;
	[tilespmem:$0x7C0] =	vst v63  }
0x86: {  	_ =	swait.ge [sflag:s31], $0x40  }
0x87: {  	[sflag:s31] =	ssyncset.done $0x0  }
0x88: {  	[sflag:s31] =	ssyncadd.s32 $0xFFFFFFC0  }
.LBB2_6:
0x89: {  	[bflag:$0x0] =	sbarrier.arrive $0xFFFF  }
.LBB2_7:
0x8a: {  	_ =	sfence.sel $0x180000  }
0x8b: {  	[bflag:$0x0] =	sbarrier.arrive $0xFFFF  }
0x8c: {  	p0 =	sne.s32 s1, $0x0;
	_ =	strace $0x90000047  }
0x8d: {  	s0 =	sadd.s32 @!p0 $0x100000, s0;
	[bflag:$0x2] =	sbarrier.arrive $0xFFFF  }
0x8e: {  	[sflag:s0] =	ssyncadd.tile.s32 @!p0 $0x1;
	_ =	shalt  }
.LBB2_3:
0x8f: {  	[bflag:$0x0] =	sbarrier.arrive $0xFFFF;
	s4 =	simm.s32 $0x480;
	s30 =	simm.s32 $0x2  }
0x90: {  	[tilespmem:s4], [sflag:$0x2] =	stream.linear.gather [spmem:s3], $0x300, $0x38;
	[tilespmem:$0x7C0] =	vst v63  }
0x91: {  	_ =	swait.ge [sflag:s30], $0x300  }
0x92: {  	[sflag:s30] =	ssyncset.done $0x0  }
0x93: {  	[sflag:s30] =	ssyncadd.s32 $0xFFFFFD00  }
0x94: {  	v0 =	vld [tilespmem:$0x410]  }
0x95: {  	v1 =	vld [tilespmem:$0x480]  }
0x96: {  	v2 =	vld [tilespmem:$0x4C0]  }
0x97: {  	v3 =	vld [tilespmem:$0x500]  }
0x98: {  	v4 =	vld [tilespmem:$0x540]  }
0x99: {  	v5 =	vld [tilespmem:$0x580]  }
0x9a: {  	v6 =	vld [tilespmem:$0x5C0]  }
0x9b: {  	v7 =	vld [tilespmem:$0x600]  }
0x9c: {  	v8 =	vld [tilespmem:$0x640]  }
0x9d: {  	v9 =	vld [tilespmem:$0x680]  }
0x9e: {  	v10 =	vld [tilespmem:$0x6C0]  }
0x9f: {  	v11 =	vld [tilespmem:$0x700]  }
0xa0: {  	v12 =	vld [tilespmem:$0x740]  }
0xa1: {  	v13 =	vld [tilespmem:$0x420]  }
0xa2: {  	v14 =	vld [tilespmem:$0x490]  }
0xa3: {  	v15 =	vld [tilespmem:$0x4D0]  }
0xa4: {  	v16 =	vld [tilespmem:$0x510]  }
0xa5: {  	v17 =	vld [tilespmem:$0x550]  }
0xa6: {  	v18 =	vld [tilespmem:$0x590]  }
0xa7: {  	v19 =	vld [tilespmem:$0x5D0]  }
0xa8: {  	v20 =	vld [tilespmem:$0x610]  }
0xa9: {  	v21 =	vld [tilespmem:$0x650]  }
0xaa: {  	v22 =	vld [tilespmem:$0x690]  }
0xab: {  	v23 =	vld [tilespmem:$0x6D0]  }
0xac: {  	v24 =	vld [tilespmem:$0x710]  }
0xad: {  	v25 =	vld [tilespmem:$0x750]  }
0xae: {  	v26 =	vld [tilespmem:$0x430]  }
0xaf: {  	v27 =	vld [tilespmem:$0x4A0]  }
0xb0: {  	v28 =	vld [tilespmem:$0x440]  }
0xb1: {  	v29 =	vld [tilespmem:$0x4B0]  }
0xb2: {  	v30 =	vld [tilespmem:$0x4E0]  }
0xb3: {  	v35 =	vld [tilespmem:$0x4F0];
	v0 =	vadd.f32 v1, v0  }
0xb4: {  	v36 =	vld [tilespmem:$0x520];
	v13 =	vadd.f32 v14, v13  }
0xb5: {  	v38 =	vld [tilespmem:$0x530];
	v37 =	vadd.f32 v27, v26;
	v0 =	vadd.f32 v2, v0  }
0xb6: {  	v40 =	vld [tilespmem:$0x560];
	v39 =	vadd.f32 v29, v28;
	v13 =	vadd.f32 v15, v13  }
0xb7: {  	v41 =	vld [tilespmem:$0x570];
	v2 =	vadd.f32 v30, v37;
	v0 =	vadd.f32 v3, v0  }
0xb8: {  	v42 =	vld [tilespmem:$0x5A0];
	v1 =	vadd.f32 v35, v39;
	v13 =	vadd.f32 v16, v13  }
0xb9: {  	v43 =	vld [tilespmem:$0x5B0];
	v2 =	vadd.f32 v36, v2;
	v0 =	vadd.f32 v4, v0  }
0xba: {  	v44 =	vld [tilespmem:$0x5E0];
	v1 =	vadd.f32 v38, v1;
	v13 =	vadd.f32 v17, v13  }
0xbb: {  	v45 =	vld [tilespmem:$0x5F0];
	v2 =	vadd.f32 v40, v2;
	v0 =	vadd.f32 v5, v0  }
0xbc: {  	v46 =	vld [tilespmem:$0x620];
	v1 =	vadd.f32 v41, v1;
	v13 =	vadd.f32 v18, v13  }
0xbd: {  	v47 =	vld [tilespmem:$0x630];
	v2 =	vadd.f32 v42, v2;
	v0 =	vadd.f32 v6, v0  }
0xbe: {  	v48 =	vld [tilespmem:$0x660];
	v1 =	vadd.f32 v43, v1;
	v13 =	vadd.f32 v19, v13  }
0xbf: {  	v49 =	vld [tilespmem:$0x670];
	v2 =	vadd.f32 v44, v2;
	v0 =	vadd.f32 v7, v0  }
0xc0: {  	v50 =	vld [tilespmem:$0x6A0];
	v1 =	vadd.f32 v45, v1;
	v13 =	vadd.f32 v20, v13  }
0xc1: {  	v51 =	vld [tilespmem:$0x6B0];
	v2 =	vadd.f32 v46, v2;
	v0 =	vadd.f32 v8, v0  }
0xc2: {  	v53 =	vld [tilespmem:$0x6E0];
	v1 =	vadd.f32 v47, v1;
	v52 =	vadd.f32 v21, v13  }
0xc3: {  	v54 =	vld [tilespmem:$0x6F0];
	v2 =	vadd.f32 v48, v2;
	v0 =	vadd.f32 v9, v0  }
0xc4: {  	v55 =	vld [tilespmem:$0x720];
	v1 =	vadd.f32 v49, v1;
	v8 =	vadd.f32 v22, v52  }
0xc5: {  	v56 =	vld [tilespmem:$0x730];
	v2 =	vadd.f32 v50, v2;
	v0 =	vadd.f32 v10, v0  }
0xc6: {  	v57 =	vld [tilespmem:$0x760];
	v1 =	vadd.f32 v51, v1;
	v8 =	vadd.f32 v23, v8  }
0xc7: {  	v58 =	vld [tilespmem:$0x770];
	v2 =	vadd.f32 v53, v2;
	v0 =	vadd.f32 v11, v0  }
0xc8: {  	v1 =	vadd.f32 v54, v1;
	v8 =	vadd.f32 v24, v8  }
0xc9: {  	v2 =	vadd.f32 v55, v2;
	v0 =	vadd.f32 v12, v0  }
0xca: {  	v1 =	vadd.f32 v56, v1;
	v59 =	vadd.f32 v25, v8  }
0xcb: {  	v2 =	vadd.f32 v57, v2;
	v0 =	vmul.f32 $4.999999890e-03, v0  }
0xcc: {  	v1 =	vadd.f32 v58, v1;
	v60 =	vmul.f32 $4.999999890e-03, v59  }
0xcd: {  	v2 =	vmul.f32 $4.999999890e-03, v2;
	v0 =	vmax.f32 v0, $0.0e+00  }
0xce: {  	v1 =	vmul.f32 $4.999999890e-03, v1;
	v61 =	vmax.f32 v60, $0.0e+00;
	[tilespmem:$0x780] =	vst v0  }
0xcf: {  	v62 =	vmax.f32 v2, $0.0e+00;
	[tilespmem:$0x790] =	vst v61  }
0xd0: {  	v63 =	vmax.f32 v1, $0.0e+00;
	[tilespmem:$0x7A0] =	vst v62  }
.Ltmp4:
0xd1: {  	s31 =	simm.s32 $0x0;
	s5 =	simm.s32 $0x780;
	[tilespmem:$0x7B0] =	vst v63;
	(pc) =	sbr.rel .LBB2_7-.Ltmp4, $4  }
0xd2: {  	[hbm4b:s2+s31] =	stream.linear.scatter [tilespmem:s5], [sflag:$0x2], $0x40, $0x38;
	[tilespmem:$0x7C0] =	vst v63  }
0xd3: {  	_ =	swait.ge [sflag:s30], $0x40  }
0xd4: {  	[sflag:s30] =	ssyncset.done $0x0  }
0xd5: {  	[sflag:s30] =	ssyncadd.s32 $0xFFFFFFC0  }
.Lfunc_end2:
_tile_overlayer_lowered:
.L_overlay_start_2:
0xd6: {  	(tag) =	ssettag $0x2  }
0xd7: {  	s0 =	rddreg [dreg:$0x0];
	s2 =	stileid.u32  }
0xd8: {  	s1 =	rddreg [dreg:$0x1];
	p0 =	sne.s32 s2, $0x0  }
0xd9: {  	s3 =	rddreg [dreg:$0x2];
	[bflag:$0x3] =	sbarrier.arrive $0xFFFF;
	s2 =	simm.s32 @!p0 $0x1C02  }
0xda: {  	[timem:s3], [sflag:s2] =	dma.local @!p0 [hbm:s0], s1  }
0xdb: {  	s0 =	simm.s32 @!p0 $0x2  }
0xdc: {  	_ =	swait.ge @!p0 [sflag:s0], s1  }
0xdd: {  	s1 =	ssub.s32 @!p0 $0x0, s1;
	[sflag:s0] =	ssyncset.done @!p0 $0x0  }
0xde: {  	[sflag:s0] =	ssyncadd.s32 @!p0 s1  }
0xdf: {  	[bflag:$0x3] =	sbarrier.arrive $0xFFFF  }
0xe0: {  	_ =	shalt  }

</sc_bundles>
